<compile_context>
chip_gen: v7x
topology: tpu7x:2x2x1
jax: 0.10.2.dev20260603
libtpu: 0.0.44.dev20260713+nightly
codegen_flags: <defaults>
</compile_context>

<pallas_src>
import functools

import jax
import jax.numpy as jnp
from jax import lax
from jax.experimental import pallas as pl
from jax.experimental.pallas import tpu as pltpu
from jax.experimental.pallas import tpu_sc as plsc

_LANES = 16
_NUM_WORKERS = 32
_NBUF = 4


def _sc_embed(word_emb, pos_emb, ids, pids, seq, batch, hidden, chunk):
    s_span = seq * batch // _NUM_WORKERS
    n_chunks = s_span // chunk
    vregs = chunk * hidden // _LANES
    vregs_per_row = hidden // _LANES

    mesh = plsc.VectorSubcoreMesh(core_axis_name="c", subcore_axis_name="s")

    scratch = [
        pltpu.VMEM((s_span,), jnp.int32),
        pltpu.VMEM((s_span,), jnp.int32),
    ]
    for _ in range(_NBUF):
        scratch += [
            pltpu.VMEM((chunk, hidden), jnp.float32),
            pltpu.VMEM((chunk, hidden), jnp.float32),
            pltpu.VMEM((chunk, hidden), jnp.float32),
            pltpu.SemaphoreType.DMA,
            pltpu.SemaphoreType.DMA,
        ]

    @functools.partial(
        pl.kernel,
        out_type=jax.ShapeDtypeStruct((seq, batch, hidden), jnp.float32),
        mesh=mesh,
        scratch_types=scratch,
    )
    def body(word_hbm, pos_hbm, ids_hbm, pids_hbm, out_hbm,
             idw_all, idp_all, *bufs):
        sets = [bufs[i * 5:(i + 1) * 5] for i in range(_NBUF)]
        wid = lax.axis_index("s") * 2 + lax.axis_index("c")
        b = wid % batch
        s0w = (wid // batch) * s_span

        pltpu.sync_copy(ids_hbm.at[b, pl.ds(s0w, s_span)], idw_all)
        pltpu.sync_copy(pids_hbm.at[b, pl.ds(s0w, s_span)], idp_all)

        def issue_gather(bb, g):
            wbuf, pbuf, _, gsem, _ = sets[bb]
            off = g * chunk
            pltpu.async_copy(word_hbm.at[idw_all.at[pl.ds(off, chunk)]],
                             wbuf, gsem)
            pltpu.async_copy(pos_hbm.at[idp_all.at[pl.ds(off, chunk)]],
                             pbuf, gsem)

        def wait_gather(bb, g):
            wbuf, pbuf, _, gsem, _ = sets[bb]
            off = g * chunk
            pltpu.make_async_copy(word_hbm.at[idw_all.at[pl.ds(off, chunk)]],
                                  wbuf, gsem).wait()
            pltpu.make_async_copy(pos_hbm.at[idp_all.at[pl.ds(off, chunk)]],
                                  pbuf, gsem).wait()

        def issue_out(bb, g):
            _, _, obuf, _, osem = sets[bb]
            s_base = s0w + g * chunk
            pltpu.async_copy(obuf, out_hbm.at[pl.ds(s_base, chunk), b], osem)

        def wait_out(bb, g):
            _, _, obuf, _, osem = sets[bb]
            s_base = s0w + g * chunk
            pltpu.make_async_copy(obuf, out_hbm.at[pl.ds(s_base, chunk), b],
                                  osem).wait()

        def compute(bb):
            wbuf, pbuf, obuf, _, _ = sets[bb]

            def add_body(i):
                r = i // vregs_per_row
                sl = pl.ds((i % vregs_per_row) * _LANES, _LANES)
                obuf[r, sl] = wbuf[r, sl] + pbuf[r, sl]

            plsc.parallel_loop(0, vregs, 1, unroll=16)(add_body)

        for bb in range(_NBUF):
            issue_gather(bb, bb)

        def outer(t, _):
            for bb in range(_NBUF):
                g = t * _NBUF + bb
                wait_gather(bb, g)

                @pl.when(g >= _NBUF)
                def _():
                    wait_out(bb, g - _NBUF)

                compute(bb)

                @pl.when(g + _NBUF < n_chunks)
                def _():
                    issue_gather(bb, g + _NBUF)

                issue_out(bb, g)
            return 0

        lax.fori_loop(0, n_chunks // _NBUF, outer, 0)
        for bb in range(_NBUF):
            wait_out(bb, n_chunks - _NBUF + bb)

    return body(word_emb, pos_emb, ids, pids)


def kernel(input_ids, position_ids, word_emb, pos_emb):
    batch, seq = input_ids.shape
    hidden = word_emb.shape[1]

    out = _sc_embed(word_emb, pos_emb,
                    input_ids.astype(jnp.int32),
                    position_ids.astype(jnp.int32),
                    seq, batch, hidden, chunk=8)
    return out

# --- scband reference (transcript-rebuilt; emitter-appended) ---
"""Pipeline reference for scband-gptmo-eembedding-55336358642464 (READ-ONLY COPY).

The authoritative reference and input builder live on the scoring server;
editing this copy changes nothing except your own understanding.
"""

import jax, jax.numpy as jnp
import numpy as np

VOCAB = 100000
MAX_POS = 8192
HIDDEN = 1024
BATCH = 4
SEQ = 8192

def setup_inputs(seed: int = 0) -> dict:
    key = jax.random.key(seed)
    k1, k2, k3, k4 = jax.random.split(key, 4)
    input_ids = jax.random.randint(k1, (BATCH, SEQ), 0, VOCAB, dtype=jnp.int64 if jax.config.jax_enable_x64 else jnp.int32)
    position_ids = jax.random.randint(k2, (BATCH, SEQ), 0, MAX_POS, dtype=jnp.int64 if jax.config.jax_enable_x64 else jnp.int32)
    word_emb = jax.random.normal(k3, (VOCAB, HIDDEN), dtype=jnp.float32) * 0.02
    pos_emb = jax.random.normal(k4, (MAX_POS, HIDDEN), dtype=jnp.float32) * 0.02
    return {"input_ids": input_ids, "position_ids": position_ids, "word_emb": word_emb, "pos_emb": pos_emb}

def reference(input_ids, position_ids, word_emb, pos_emb):
    # word_embeddings(input_ids): gather rows -> [B, S, H]
    words_embeddings = jnp.take(word_emb, input_ids, axis=0)
    # position_embeddings(position_ids): gather rows -> [B, S, H]
    position_embeddings = jnp.take(pos_emb, position_ids, axis=0)
    embeddings = words_embeddings + position_embeddings
    # transpose(0, 1) -> [S, B, H]
    embeddings = jnp.transpose(embeddings, (1, 0, 2))
    # fp32_residual_connection=False: no-op cast; sequence_parallel=False
    # embedding_dropout with p=0.0 (eval / inference): identity
    return embeddings

if __name__ == "__main__":
    import jax
    _d = setup_inputs()
    print(jax.jit(kernel)(*tuple(_d.values())))

</pallas_src>

<mosaic_0001>
#map = affine_map<(d0, d1) -> (0, 0)>
#map1 = affine_map<(d0, d1) -> (0, 0, 0)>
module attributes {stable_mosaic.version = 14 : i64} {
  func.func @body(%arg0: i32, %arg1: i32, %arg2: memref<100000x1024xf32, #tpu.memory_space<hbm>>, %arg3: memref<8192x1024xf32, #tpu.memory_space<hbm>>, %arg4: memref<4x8192xi32, #tpu.memory_space<hbm>>, %arg5: memref<4x8192xi32, #tpu.memory_space<hbm>>, %arg6: memref<8192x4x1024xf32, #tpu.memory_space<hbm>>, %arg7: memref<1024xi32, #tpu.memory_space<vmem>>, %arg8: memref<1024xi32, #tpu.memory_space<vmem>>, %arg9: memref<8x1024xf32, #tpu.memory_space<vmem>>, %arg10: memref<8x1024xf32, #tpu.memory_space<vmem>>, %arg11: memref<8x1024xf32, #tpu.memory_space<vmem>>, %arg12: memref<!tpu.dma_semaphore, #tpu.memory_space<semaphore_mem>>, %arg13: memref<!tpu.dma_semaphore, #tpu.memory_space<semaphore_mem>>, %arg14: memref<8x1024xf32, #tpu.memory_space<vmem>>, %arg15: memref<8x1024xf32, #tpu.memory_space<vmem>>, %arg16: memref<8x1024xf32, #tpu.memory_space<vmem>>, %arg17: memref<!tpu.dma_semaphore, #tpu.memory_space<semaphore_mem>>, %arg18: memref<!tpu.dma_semaphore, #tpu.memory_space<semaphore_mem>>, %arg19: memref<8x1024xf32, #tpu.memory_space<vmem>>, %arg20: memref<8x1024xf32, #tpu.memory_space<vmem>>, %arg21: memref<8x1024xf32, #tpu.memory_space<vmem>>, %arg22: memref<!tpu.dma_semaphore, #tpu.memory_space<semaphore_mem>>, %arg23: memref<!tpu.dma_semaphore, #tpu.memory_space<semaphore_mem>>, %arg24: memref<8x1024xf32, #tpu.memory_space<vmem>>, %arg25: memref<8x1024xf32, #tpu.memory_space<vmem>>, %arg26: memref<8x1024xf32, #tpu.memory_space<vmem>>, %arg27: memref<!tpu.dma_semaphore, #tpu.memory_space<semaphore_mem>>, %arg28: memref<!tpu.dma_semaphore, #tpu.memory_space<semaphore_mem>>) attributes {dimension_semantics = [#tpu.dimension_semantics<core_parallel>, #tpu.dimension_semantics<subcore_parallel>], iteration_bounds = array<i64: 2, 16>, scalar_prefetch = 0 : i64, scratch_operands = 22 : i64, tpu.core_type = #tpu.core_type<sc_vector_subcore>, window_params = [{transform_indices = #map}, {transform_indices = #map}, {transform_indices = #map}, {transform_indices = #map}, {transform_indices = #map1}]} {
    %mul3A = arith.constant 2 : i32
    %mul3A_0 = arith.muli %arg1, %mul3A : i32
    %add3A = arith.addi %mul3A_0, %arg0 : i32
    %jit3A = arith.constant 4 : i32
    %eq3A = arith.constant 0 : i32
    %eq3A_1 = arith.cmpi eq, %jit3A, %eq3A : i32
    %jit3A_2 = arith.constant 1 : i32
    %select_n3A = arith.select %eq3A_1, %jit3A_2, %jit3A : i32
    %rem3A = arith.remsi %add3A, %select_n3A : i32
    %ne3A = arith.constant 0 : i32
    %ne3A_3 = arith.cmpi ne, %rem3A, %ne3A : i32
    %lt3A = arith.constant 0 : i32
    %lt3A_4 = arith.cmpi slt, %rem3A, %lt3A : i32
    %lt3A_5 = arith.constant 0 : i32
    %lt3A_6 = arith.cmpi slt, %select_n3A, %lt3A_5 : i32
    %ne3A_7 = arith.xori %lt3A_4, %lt3A_6 : i1
    %and3A = arith.andi %ne3A_7, %ne3A_3 : i1
    %add3A_8 = arith.addi %rem3A, %select_n3A : i32
    %select_n3A_9 = arith.select %and3A, %add3A_8, %rem3A : i32
    %jit3A_10 = arith.constant 4 : i32
    %div3A = arith.divsi %add3A, %jit3A_10 : i32
    %sign3A = arith.constant 0 : i32
    %sign3A_11 = arith.cmpi sgt, %add3A, %sign3A : i32
    %sign3A_12 = arith.extui %sign3A_11 : i1 to i32
    %sign3A_13 = arith.constant 0 : i32
    %sign3A_14 = arith.cmpi slt, %add3A, %sign3A_13 : i32
    %sign3A_15 = arith.extui %sign3A_14 : i1 to i32
    %sign3A_16 = arith.subi %sign3A_12, %sign3A_15 : i32
    %sign3A_17 = arith.constant 0 : i32
    %sign3A_18 = arith.cmpi sgt, %jit3A_10, %sign3A_17 : i32
    %sign3A_19 = arith.extui %sign3A_18 : i1 to i32
    %sign3A_20 = arith.constant 0 : i32
    %sign3A_21 = arith.cmpi slt, %jit3A_10, %sign3A_20 : i32
    %sign3A_22 = arith.extui %sign3A_21 : i1 to i32
    %sign3A_23 = arith.subi %sign3A_19, %sign3A_22 : i32
    %ne3A_24 = arith.cmpi ne, %sign3A_16, %sign3A_23 : i32
    %rem3A_25 = arith.remsi %add3A, %jit3A_10 : i32
    %ne3A_26 = arith.constant 0 : i32
    %ne3A_27 = arith.cmpi ne, %rem3A_25, %ne3A_26 : i32
    %and3A_28 = arith.andi %ne3A_24, %ne3A_27 : i1
    %sub3A = arith.constant 1 : i32
    %sub3A_29 = arith.subi %div3A, %sub3A : i32
    %select_n3A_30 = arith.select %and3A_28, %sub3A_29, %div3A : i32
    %mul3A_31 = arith.constant 1024 : i32
    %mul3A_32 = arith.muli %select_n3A_30, %mul3A_31 : i32
    "tpu.region"() ({
      %run_scoped3A = tpu.sem_alloc : memref<!tpu.dma_semaphore, #tpu.memory_space<semaphore_mem>>
      %dma_start3A_109 = tpu.memref_slice %arg4[%select_n3A_9, %mul3A_32] : memref<4x8192xi32, #tpu.memory_space<hbm>> -> memref<1x1024xi32, #tpu.memory_space<hbm>>
      %dma_start3A_110 = tpu.memref_squeeze %dma_start3A_109 : memref<1x1024xi32, #tpu.memory_space<hbm>> -> memref<1024xi32, #tpu.memory_space<hbm>>
      %dma_start3A_111 = tpu.memref_slice %arg4[%select_n3A_9, %mul3A_32] : memref<4x8192xi32, #tpu.memory_space<hbm>> -> memref<1x1024xi32, #tpu.memory_space<hbm>>
      %dma_start3A_112 = tpu.memref_squeeze %dma_start3A_111 : memref<1x1024xi32, #tpu.memory_space<hbm>> -> memref<1024xi32, #tpu.memory_space<hbm>>
      tpu.enqueue_dma source(%dma_start3A_112 : memref<1024xi32, #tpu.memory_space<hbm>>) target(%arg7 : memref<1024xi32, #tpu.memory_space<vmem>>) target_semaphore(%run_scoped3A : memref<!tpu.dma_semaphore, #tpu.memory_space<semaphore_mem>>)
      %dma_wait3A_113 = tpu.memref_slice %arg4[%select_n3A_9, %mul3A_32] : memref<4x8192xi32, #tpu.memory_space<hbm>> -> memref<1x1024xi32, #tpu.memory_space<hbm>>
      %dma_wait3A_114 = tpu.memref_squeeze %dma_wait3A_113 : memref<1x1024xi32, #tpu.memory_space<hbm>> -> memref<1024xi32, #tpu.memory_space<hbm>>
      %dma_wait3A_115 = tpu.memref_slice %arg4[%select_n3A_9, %mul3A_32] : memref<4x8192xi32, #tpu.memory_space<hbm>> -> memref<1x1024xi32, #tpu.memory_space<hbm>>
      %dma_wait3A_116 = tpu.memref_squeeze %dma_wait3A_115 : memref<1x1024xi32, #tpu.memory_space<hbm>> -> memref<1024xi32, #tpu.memory_space<hbm>>
      tpu.wait_dma2 semaphore(%run_scoped3A : memref<!tpu.dma_semaphore, #tpu.memory_space<semaphore_mem>>) src(%dma_wait3A_116 : memref<1024xi32, #tpu.memory_space<hbm>>) dst(%arg7 : memref<1024xi32, #tpu.memory_space<vmem>>)
      tpu.yield
    }) : () -> ()
    "tpu.region"() ({
      %run_scoped3A = tpu.sem_alloc : memref<!tpu.dma_semaphore, #tpu.memory_space<semaphore_mem>>
      %dma_start3A_109 = tpu.memref_slice %arg5[%select_n3A_9, %mul3A_32] : memref<4x8192xi32, #tpu.memory_space<hbm>> -> memref<1x1024xi32, #tpu.memory_space<hbm>>
      %dma_start3A_110 = tpu.memref_squeeze %dma_start3A_109 : memref<1x1024xi32, #tpu.memory_space<hbm>> -> memref<1024xi32, #tpu.memory_space<hbm>>
      %dma_start3A_111 = tpu.memref_slice %arg5[%select_n3A_9, %mul3A_32] : memref<4x8192xi32, #tpu.memory_space<hbm>> -> memref<1x1024xi32, #tpu.memory_space<hbm>>
      %dma_start3A_112 = tpu.memref_squeeze %dma_start3A_111 : memref<1x1024xi32, #tpu.memory_space<hbm>> -> memref<1024xi32, #tpu.memory_space<hbm>>
      tpu.enqueue_dma source(%dma_start3A_112 : memref<1024xi32, #tpu.memory_space<hbm>>) target(%arg8 : memref<1024xi32, #tpu.memory_space<vmem>>) target_semaphore(%run_scoped3A : memref<!tpu.dma_semaphore, #tpu.memory_space<semaphore_mem>>)
      %dma_wait3A_113 = tpu.memref_slice %arg5[%select_n3A_9, %mul3A_32] : memref<4x8192xi32, #tpu.memory_space<hbm>> -> memref<1x1024xi32, #tpu.memory_space<hbm>>
      %dma_wait3A_114 = tpu.memref_squeeze %dma_wait3A_113 : memref<1x1024xi32, #tpu.memory_space<hbm>> -> memref<1024xi32, #tpu.memory_space<hbm>>
      %dma_wait3A_115 = tpu.memref_slice %arg5[%select_n3A_9, %mul3A_32] : memref<4x8192xi32, #tpu.memory_space<hbm>> -> memref<1x1024xi32, #tpu.memory_space<hbm>>
      %dma_wait3A_116 = tpu.memref_squeeze %dma_wait3A_115 : memref<1x1024xi32, #tpu.memory_space<hbm>> -> memref<1024xi32, #tpu.memory_space<hbm>>
      tpu.wait_dma2 semaphore(%run_scoped3A : memref<!tpu.dma_semaphore, #tpu.memory_space<semaphore_mem>>) src(%dma_wait3A_116 : memref<1024xi32, #tpu.memory_space<hbm>>) dst(%arg8 : memref<1024xi32, #tpu.memory_space<vmem>>)
      tpu.yield
    }) : () -> ()
    %dma_start3A = arith.constant 0 : i32
    %dma_start3A_33 = tpu.memref_slice %arg7[%dma_start3A] : memref<1024xi32, #tpu.memory_space<vmem>> -> memref<8xi32, #tpu.memory_space<vmem>>
    %dma_start3A_34 = arith.constant 0 : i32
    %dma_start3A_35 = arith.constant 0 : i32
    %dma_start3A_36 = tpu.memref_slice %arg2[%dma_start3A_34, %dma_start3A_35] : memref<100000x1024xf32, #tpu.memory_space<hbm>> -> memref<100000x1024xf32, #tpu.memory_space<hbm>>
    tpu.enqueue_indirect_dma source(%dma_start3A_36 : memref<100000x1024xf32, #tpu.memory_space<hbm>>) target(%arg9 : memref<8x1024xf32, #tpu.memory_space<vmem>>) offsets(%dma_start3A_33 : memref<8xi32, #tpu.memory_space<vmem>>) semaphore(%arg12 : memref<!tpu.dma_semaphore, #tpu.memory_space<semaphore_mem>>)
    %dma_start3A_37 = arith.constant 0 : i32
    %dma_start3A_38 = tpu.memref_slice %arg8[%dma_start3A_37] : memref<1024xi32, #tpu.memory_space<vmem>> -> memref<8xi32, #tpu.memory_space<vmem>>
    %dma_start3A_39 = arith.constant 0 : i32
    %dma_start3A_40 = arith.constant 0 : i32
    %dma_start3A_41 = tpu.memref_slice %arg3[%dma_start3A_39, %dma_start3A_40] : memref<8192x1024xf32, #tpu.memory_space<hbm>> -> memref<8192x1024xf32, #tpu.memory_space<hbm>>
    tpu.enqueue_indirect_dma source(%dma_start3A_41 : memref<8192x1024xf32, #tpu.memory_space<hbm>>) target(%arg10 : memref<8x1024xf32, #tpu.memory_space<vmem>>) offsets(%dma_start3A_38 : memref<8xi32, #tpu.memory_space<vmem>>) semaphore(%arg12 : memref<!tpu.dma_semaphore, #tpu.memory_space<semaphore_mem>>)
    %dma_start3A_42 = arith.constant 8 : i32
    %dma_start3A_43 = tpu.memref_slice %arg7[%dma_start3A_42] : memref<1024xi32, #tpu.memory_space<vmem>> -> memref<8xi32, #tpu.memory_space<vmem>>
    %dma_start3A_44 = arith.constant 0 : i32
    %dma_start3A_45 = arith.constant 0 : i32
    %dma_start3A_46 = tpu.memref_slice %arg2[%dma_start3A_44, %dma_start3A_45] : memref<100000x1024xf32, #tpu.memory_space<hbm>> -> memref<100000x1024xf32, #tpu.memory_space<hbm>>
    tpu.enqueue_indirect_dma source(%dma_start3A_46 : memref<100000x1024xf32, #tpu.memory_space<hbm>>) target(%arg14 : memref<8x1024xf32, #tpu.memory_space<vmem>>) offsets(%dma_start3A_43 : memref<8xi32, #tpu.memory_space<vmem>>) semaphore(%arg17 : memref<!tpu.dma_semaphore, #tpu.memory_space<semaphore_mem>>)
    %dma_start3A_47 = arith.constant 8 : i32
    %dma_start3A_48 = tpu.memref_slice %arg8[%dma_start3A_47] : memref<1024xi32, #tpu.memory_space<vmem>> -> memref<8xi32, #tpu.memory_space<vmem>>
    %dma_start3A_49 = arith.constant 0 : i32
    %dma_start3A_50 = arith.constant 0 : i32
    %dma_start3A_51 = tpu.memref_slice %arg3[%dma_start3A_49, %dma_start3A_50] : memref<8192x1024xf32, #tpu.memory_space<hbm>> -> memref<8192x1024xf32, #tpu.memory_space<hbm>>
    tpu.enqueue_indirect_dma source(%dma_start3A_51 : memref<8192x1024xf32, #tpu.memory_space<hbm>>) target(%arg15 : memref<8x1024xf32, #tpu.memory_space<vmem>>) offsets(%dma_start3A_48 : memref<8xi32, #tpu.memory_space<vmem>>) semaphore(%arg17 : memref<!tpu.dma_semaphore, #tpu.memory_space<semaphore_mem>>)
    %dma_start3A_52 = arith.constant 16 : i32
    %dma_start3A_53 = tpu.memref_slice %arg7[%dma_start3A_52] : memref<1024xi32, #tpu.memory_space<vmem>> -> memref<8xi32, #tpu.memory_space<vmem>>
    %dma_start3A_54 = arith.constant 0 : i32
    %dma_start3A_55 = arith.constant 0 : i32
    %dma_start3A_56 = tpu.memref_slice %arg2[%dma_start3A_54, %dma_start3A_55] : memref<100000x1024xf32, #tpu.memory_space<hbm>> -> memref<100000x1024xf32, #tpu.memory_space<hbm>>
    tpu.enqueue_indirect_dma source(%dma_start3A_56 : memref<100000x1024xf32, #tpu.memory_space<hbm>>) target(%arg19 : memref<8x1024xf32, #tpu.memory_space<vmem>>) offsets(%dma_start3A_53 : memref<8xi32, #tpu.memory_space<vmem>>) semaphore(%arg22 : memref<!tpu.dma_semaphore, #tpu.memory_space<semaphore_mem>>)
    %dma_start3A_57 = arith.constant 16 : i32
    %dma_start3A_58 = tpu.memref_slice %arg8[%dma_start3A_57] : memref<1024xi32, #tpu.memory_space<vmem>> -> memref<8xi32, #tpu.memory_space<vmem>>
    %dma_start3A_59 = arith.constant 0 : i32
    %dma_start3A_60 = arith.constant 0 : i32
    %dma_start3A_61 = tpu.memref_slice %arg3[%dma_start3A_59, %dma_start3A_60] : memref<8192x1024xf32, #tpu.memory_space<hbm>> -> memref<8192x1024xf32, #tpu.memory_space<hbm>>
    tpu.enqueue_indirect_dma source(%dma_start3A_61 : memref<8192x1024xf32, #tpu.memory_space<hbm>>) target(%arg20 : memref<8x1024xf32, #tpu.memory_space<vmem>>) offsets(%dma_start3A_58 : memref<8xi32, #tpu.memory_space<vmem>>) semaphore(%arg22 : memref<!tpu.dma_semaphore, #tpu.memory_space<semaphore_mem>>)
    %dma_start3A_62 = arith.constant 24 : i32
    %dma_start3A_63 = tpu.memref_slice %arg7[%dma_start3A_62] : memref<1024xi32, #tpu.memory_space<vmem>> -> memref<8xi32, #tpu.memory_space<vmem>>
    %dma_start3A_64 = arith.constant 0 : i32
    %dma_start3A_65 = arith.constant 0 : i32
    %dma_start3A_66 = tpu.memref_slice %arg2[%dma_start3A_64, %dma_start3A_65] : memref<100000x1024xf32, #tpu.memory_space<hbm>> -> memref<100000x1024xf32, #tpu.memory_space<hbm>>
    tpu.enqueue_indirect_dma source(%dma_start3A_66 : memref<100000x1024xf32, #tpu.memory_space<hbm>>) target(%arg24 : memref<8x1024xf32, #tpu.memory_space<vmem>>) offsets(%dma_start3A_63 : memref<8xi32, #tpu.memory_space<vmem>>) semaphore(%arg27 : memref<!tpu.dma_semaphore, #tpu.memory_space<semaphore_mem>>)
    %dma_start3A_67 = arith.constant 24 : i32
    %dma_start3A_68 = tpu.memref_slice %arg8[%dma_start3A_67] : memref<1024xi32, #tpu.memory_space<vmem>> -> memref<8xi32, #tpu.memory_space<vmem>>
    %dma_start3A_69 = arith.constant 0 : i32
    %dma_start3A_70 = arith.constant 0 : i32
    %dma_start3A_71 = tpu.memref_slice %arg3[%dma_start3A_69, %dma_start3A_70] : memref<8192x1024xf32, #tpu.memory_space<hbm>> -> memref<8192x1024xf32, #tpu.memory_space<hbm>>
    tpu.enqueue_indirect_dma source(%dma_start3A_71 : memref<8192x1024xf32, #tpu.memory_space<hbm>>) target(%arg25 : memref<8x1024xf32, #tpu.memory_space<vmem>>) offsets(%dma_start3A_68 : memref<8xi32, #tpu.memory_space<vmem>>) semaphore(%arg27 : memref<!tpu.dma_semaphore, #tpu.memory_space<semaphore_mem>>)
    %scan3A = arith.constant 0 : i32
    %scan3A_72 = arith.constant 0 : i32
    %scan3A_73 = arith.constant 32 : i32
    %scan3A_74 = arith.addi %scan3A_72, %scan3A_73 : i32
    %scan3A_75 = arith.constant 1 : i32
    %scan3A_76 = scf.for %scan3A_109 = %scan3A_72 to %scan3A_74 step %scan3A_75 iter_args(%scan3A_110 = %scan3A) -> (i32)  : i32 {
      %mul3A_111 = arith.constant 4 : i32
      %mul3A_112 = arith.muli %scan3A_109, %mul3A_111 : i32
      %add3A_113 = arith.constant 0 : i32
      %add3A_114 = arith.addi %mul3A_112, %add3A_113 : i32
      %mul3A_115 = arith.constant 8 : i32
      %mul3A_116 = arith.muli %add3A_114, %mul3A_115 : i32
      %dma_wait3A_117 = tpu.memref_slice %arg7[%mul3A_116] : memref<1024xi32, #tpu.memory_space<vmem>> -> memref<8xi32, #tpu.memory_space<vmem>>
      %dma_wait3A_118 = arith.constant 0 : i32
      %dma_wait3A_119 = arith.constant 0 : i32
      %dma_wait3A_120 = tpu.memref_slice %arg2[%dma_wait3A_118, %dma_wait3A_119] : memref<100000x1024xf32, #tpu.memory_space<hbm>> -> memref<100000x1024xf32, #tpu.memory_space<hbm>>
      tpu.wait_indirect_dma semaphore(%arg12 : memref<!tpu.dma_semaphore, #tpu.memory_space<semaphore_mem>>) src(%dma_wait3A_120 : memref<100000x1024xf32, #tpu.memory_space<hbm>>) dst(%arg9 : memref<8x1024xf32, #tpu.memory_space<vmem>>)
      %dma_wait3A_121 = tpu.memref_slice %arg8[%mul3A_116] : memref<1024xi32, #tpu.memory_space<vmem>> -> memref<8xi32, #tpu.memory_space<vmem>>
      %dma_wait3A_122 = arith.constant 0 : i32
      %dma_wait3A_123 = arith.constant 0 : i32
      %dma_wait3A_124 = tpu.memref_slice %arg3[%dma_wait3A_122, %dma_wait3A_123] : memref<8192x1024xf32, #tpu.memory_space<hbm>> -> memref<8192x1024xf32, #tpu.memory_space<hbm>>
      tpu.wait_indirect_dma semaphore(%arg12 : memref<!tpu.dma_semaphore, #tpu.memory_space<semaphore_mem>>) src(%dma_wait3A_124 : memref<8192x1024xf32, #tpu.memory_space<hbm>>) dst(%arg10 : memref<8x1024xf32, #tpu.memory_space<vmem>>)
      %ge3A = arith.constant 4 : i32
      %ge3A_125 = arith.cmpi sge, %add3A_114, %ge3A : i32
      %convert_element_type3A = arith.extui %ge3A_125 : i1 to i32
      %cond3A = arith.constant 0 : i32
      %cond3A_126 = arith.cmpi ne, %convert_element_type3A, %cond3A : i32
      scf.if %cond3A_126 {
        %sub3A_260 = arith.constant 4 : i32
        %sub3A_261 = arith.subi %add3A_114, %sub3A_260 : i32
        %mul3A_262 = arith.constant 8 : i32
        %mul3A_263 = arith.muli %sub3A_261, %mul3A_262 : i32
        %add3A_264 = arith.addi %mul3A_32, %mul3A_263 : i32
        %dma_wait3A_265 = arith.constant 0 : i32
        %dma_wait3A_266 = tpu.memref_slice %arg6[%add3A_264, %select_n3A_9, %dma_wait3A_265] : memref<8192x4x1024xf32, #tpu.memory_space<hbm>> -> memref<8x1x1024xf32, #tpu.memory_space<hbm>>
        %dma_wait3A_267 = tpu.memref_squeeze %dma_wait3A_266 : memref<8x1x1024xf32, #tpu.memory_space<hbm>> -> memref<8x1024xf32, #tpu.memory_space<hbm>>
        %dma_wait3A_268 = arith.constant 0 : i32
        %dma_wait3A_269 = tpu.memref_slice %arg6[%add3A_264, %select_n3A_9, %dma_wait3A_268] : memref<8192x4x1024xf32, #tpu.memory_space<hbm>> -> memref<8x1x1024xf32, #tpu.memory_space<hbm>>
        %dma_wait3A_270 = tpu.memref_squeeze %dma_wait3A_269 : memref<8x1x1024xf32, #tpu.memory_space<hbm>> -> memref<8x1024xf32, #tpu.memory_space<hbm>>
        tpu.wait_dma2 semaphore(%arg13 : memref<!tpu.dma_semaphore, #tpu.memory_space<semaphore_mem>>) src(%arg11 : memref<8x1024xf32, #tpu.memory_space<vmem>>) dst(%dma_wait3A_270 : memref<8x1024xf32, #tpu.memory_space<hbm>>)
      } else {
      }
      %parallel_loop3A = arith.constant 0 : i32
      %parallel_loop3A_127 = arith.constant 512 : i32
      %parallel_loop3A_128 = arith.constant 1 : i32
      scf.for %parallel_loop3A_260 = %parallel_loop3A to %parallel_loop3A_127 step %parallel_loop3A_128  : i32 {
        %parallel_loop3A_261 = arith.constant 64 : i32
        %parallel_loop3A_262 = arith.divsi %parallel_loop3A_260, %parallel_loop3A_261 : i32
        %parallel_loop3A_263 = arith.constant 0 : i32
        %parallel_loop3A_264 = arith.cmpi sgt, %parallel_loop3A_260, %parallel_loop3A_263 : i32
        %parallel_loop3A_265 = arith.extui %parallel_loop3A_264 : i1 to i32
        %parallel_loop3A_266 = arith.constant 0 : i32
        %parallel_loop3A_267 = arith.cmpi slt, %parallel_loop3A_260, %parallel_loop3A_266 : i32
        %parallel_loop3A_268 = arith.extui %parallel_loop3A_267 : i1 to i32
        %parallel_loop3A_269 = arith.subi %parallel_loop3A_265, %parallel_loop3A_268 : i32
        %parallel_loop3A_270 = arith.constant 0 : i32
        %parallel_loop3A_271 = arith.cmpi sgt, %parallel_loop3A_261, %parallel_loop3A_270 : i32
        %parallel_loop3A_272 = arith.extui %parallel_loop3A_271 : i1 to i32
        %parallel_loop3A_273 = arith.constant 0 : i32
        %parallel_loop3A_274 = arith.cmpi slt, %parallel_loop3A_261, %parallel_loop3A_273 : i32
        %parallel_loop3A_275 = arith.extui %parallel_loop3A_274 : i1 to i32
        %parallel_loop3A_276 = arith.subi %parallel_loop3A_272, %parallel_loop3A_275 : i32
        %parallel_loop3A_277 = arith.cmpi ne, %parallel_loop3A_269, %parallel_loop3A_276 : i32
        %parallel_loop3A_278 = arith.remsi %parallel_loop3A_260, %parallel_loop3A_261 : i32
        %parallel_loop3A_279 = arith.constant 0 : i32
        %parallel_loop3A_280 = arith.cmpi ne, %parallel_loop3A_278, %parallel_loop3A_279 : i32
        %parallel_loop3A_281 = arith.andi %parallel_loop3A_277, %parallel_loop3A_280 : i1
        %parallel_loop3A_282 = arith.constant 1 : i32
        %parallel_loop3A_283 = arith.subi %parallel_loop3A_262, %parallel_loop3A_282 : i32
        %parallel_loop3A_284 = arith.select %parallel_loop3A_281, %parallel_loop3A_283, %parallel_loop3A_262 : i32
        %parallel_loop3A_285 = arith.constant 64 : i32
        %parallel_loop3A_286 = arith.constant 0 : i32
        %parallel_loop3A_287 = arith.cmpi eq, %parallel_loop3A_285, %parallel_loop3A_286 : i32
        %parallel_loop3A_288 = arith.constant 1 : i32
        %parallel_loop3A_289 = arith.select %parallel_loop3A_287, %parallel_loop3A_288, %parallel_loop3A_285 : i32
        %parallel_loop3A_290 = arith.remsi %parallel_loop3A_260, %parallel_loop3A_289 : i32
        %parallel_loop3A_291 = arith.constant 0 : i32
        %parallel_loop3A_292 = arith.cmpi ne, %parallel_loop3A_290, %parallel_loop3A_291 : i32
        %parallel_loop3A_293 = arith.constant 0 : i32
        %parallel_loop3A_294 = arith.cmpi slt, %parallel_loop3A_290, %parallel_loop3A_293 : i32
        %parallel_loop3A_295 = arith.constant 0 : i32
        %parallel_loop3A_296 = arith.cmpi slt, %parallel_loop3A_289, %parallel_loop3A_295 : i32
        %parallel_loop3A_297 = arith.xori %parallel_loop3A_294, %parallel_loop3A_296 : i1
        %parallel_loop3A_298 = arith.andi %parallel_loop3A_297, %parallel_loop3A_292 : i1
        %parallel_loop3A_299 = arith.addi %parallel_loop3A_290, %parallel_loop3A_289 : i32
        %parallel_loop3A_300 = arith.select %parallel_loop3A_298, %parallel_loop3A_299, %parallel_loop3A_290 : i32
        %parallel_loop3A_301 = arith.constant 16 : i32
        %parallel_loop3A_302 = arith.muli %parallel_loop3A_300, %parallel_loop3A_301 : i32
        %parallel_loop3A_303 = arith.index_cast %parallel_loop3A_284 : i32 to index
        %parallel_loop3A_304 = arith.index_cast %parallel_loop3A_302 : i32 to index
        %parallel_loop3A_305 = tpu.vector_load %arg9[%parallel_loop3A_303, %parallel_loop3A_304] {strides = array<i32>} : memref<8x1024xf32, #tpu.memory_space<vmem>>, vector<1x16xf32>,
        %parallel_loop3A_306 = vector.shape_cast %parallel_loop3A_305 : vector<1x16xf32> to vector<16xf32>
        %parallel_loop3A_307 = arith.index_cast %parallel_loop3A_284 : i32 to index
        %parallel_loop3A_308 = arith.index_cast %parallel_loop3A_302 : i32 to index
        %parallel_loop3A_309 = tpu.vector_load %arg10[%parallel_loop3A_307, %parallel_loop3A_308] {strides = array<i32>} : memref<8x1024xf32, #tpu.memory_space<vmem>>, vector<1x16xf32>,
        %parallel_loop3A_310 = vector.shape_cast %parallel_loop3A_309 : vector<1x16xf32> to vector<16xf32>
        %parallel_loop3A_311 = arith.addf %parallel_loop3A_306, %parallel_loop3A_310 : vector<16xf32>
        %parallel_loop3A_312 = arith.index_cast %parallel_loop3A_284 : i32 to index
        %parallel_loop3A_313 = arith.index_cast %parallel_loop3A_302 : i32 to index
        %parallel_loop3A_314 = tpu.vector_load %arg11[%parallel_loop3A_312, %parallel_loop3A_313] {strides = array<i32>} : memref<8x1024xf32, #tpu.memory_space<vmem>>, vector<1x16xf32>,
        %parallel_loop3A_315 = vector.shape_cast %parallel_loop3A_314 : vector<1x16xf32> to vector<16xf32>
        %parallel_loop3A_316 = vector.shape_cast %parallel_loop3A_311 : vector<16xf32> to vector<1x16xf32>
        tpu.vector_store %arg11[%parallel_loop3A_312, %parallel_loop3A_313], %parallel_loop3A_316 {strides = array<i32>} : memref<8x1024xf32, #tpu.memory_space<vmem>>, vector<1x16xf32>,
      } {sc.loop_unroll_factor = 16 : i64, sc.parallel_access}
      %add3A_129 = arith.constant 4 : i32
      %add3A_130 = arith.addi %add3A_114, %add3A_129 : i32
      %lt3A_131 = arith.constant 128 : i32
      %lt3A_132 = arith.cmpi slt, %add3A_130, %lt3A_131 : i32
      %convert_element_type3A_133 = arith.extui %lt3A_132 : i1 to i32
      %cond3A_134 = arith.constant 0 : i32
      %cond3A_135 = arith.cmpi ne, %convert_element_type3A_133, %cond3A_134 : i32
      scf.if %cond3A_135 {
        %add3A_260 = arith.constant 4 : i32
        %add3A_261 = arith.addi %add3A_114, %add3A_260 : i32
        %mul3A_262 = arith.constant 8 : i32
        %mul3A_263 = arith.muli %add3A_261, %mul3A_262 : i32
        %dma_start3A_264 = tpu.memref_slice %arg7[%mul3A_263] : memref<1024xi32, #tpu.memory_space<vmem>> -> memref<8xi32, #tpu.memory_space<vmem>>
        %dma_start3A_265 = arith.constant 0 : i32
        %dma_start3A_266 = arith.constant 0 : i32
        %dma_start3A_267 = tpu.memref_slice %arg2[%dma_start3A_265, %dma_start3A_266] : memref<100000x1024xf32, #tpu.memory_space<hbm>> -> memref<100000x1024xf32, #tpu.memory_space<hbm>>
        tpu.enqueue_indirect_dma source(%dma_start3A_267 : memref<100000x1024xf32, #tpu.memory_space<hbm>>) target(%arg9 : memref<8x1024xf32, #tpu.memory_space<vmem>>) offsets(%dma_start3A_264 : memref<8xi32, #tpu.memory_space<vmem>>) semaphore(%arg12 : memref<!tpu.dma_semaphore, #tpu.memory_space<semaphore_mem>>)
        %dma_start3A_268 = tpu.memref_slice %arg8[%mul3A_263] : memref<1024xi32, #tpu.memory_space<vmem>> -> memref<8xi32, #tpu.memory_space<vmem>>
        %dma_start3A_269 = arith.constant 0 : i32
        %dma_start3A_270 = arith.constant 0 : i32
        %dma_start3A_271 = tpu.memref_slice %arg3[%dma_start3A_269, %dma_start3A_270] : memref<8192x1024xf32, #tpu.memory_space<hbm>> -> memref<8192x1024xf32, #tpu.memory_space<hbm>>
        tpu.enqueue_indirect_dma source(%dma_start3A_271 : memref<8192x1024xf32, #tpu.memory_space<hbm>>) target(%arg10 : memref<8x1024xf32, #tpu.memory_space<vmem>>) offsets(%dma_start3A_268 : memref<8xi32, #tpu.memory_space<vmem>>) semaphore(%arg12 : memref<!tpu.dma_semaphore, #tpu.memory_space<semaphore_mem>>)
      } else {
      }
      %mul3A_136 = arith.constant 8 : i32
      %mul3A_137 = arith.muli %add3A_114, %mul3A_136 : i32
      %add3A_138 = arith.addi %mul3A_32, %mul3A_137 : i32
      %dma_start3A_139 = arith.constant 0 : i32
      %dma_start3A_140 = tpu.memref_slice %arg6[%add3A_138, %select_n3A_9, %dma_start3A_139] : memref<8192x4x1024xf32, #tpu.memory_space<hbm>> -> memref<8x1x1024xf32, #tpu.memory_space<hbm>>
      %dma_start3A_141 = tpu.memref_squeeze %dma_start3A_140 : memref<8x1x1024xf32, #tpu.memory_space<hbm>> -> memref<8x1024xf32, #tpu.memory_space<hbm>>
      %dma_start3A_142 = arith.constant 0 : i32
      %dma_start3A_143 = tpu.memref_slice %arg6[%add3A_138, %select_n3A_9, %dma_start3A_142] : memref<8192x4x1024xf32, #tpu.memory_space<hbm>> -> memref<8x1x1024xf32, #tpu.memory_space<hbm>>
      %dma_start3A_144 = tpu.memref_squeeze %dma_start3A_143 : memref<8x1x1024xf32, #tpu.memory_space<hbm>> -> memref<8x1024xf32, #tpu.memory_space<hbm>>
      tpu.enqueue_dma source(%arg11 : memref<8x1024xf32, #tpu.memory_space<vmem>>) target(%dma_start3A_144 : memref<8x1024xf32, #tpu.memory_space<hbm>>) target_semaphore(%arg13 : memref<!tpu.dma_semaphore, #tpu.memory_space<semaphore_mem>>)
      %mul3A_145 = arith.constant 4 : i32
      %mul3A_146 = arith.muli %scan3A_109, %mul3A_145 : i32
      %add3A_147 = arith.constant 1 : i32
      %add3A_148 = arith.addi %mul3A_146, %add3A_147 : i32
      %mul3A_149 = arith.constant 8 : i32
      %mul3A_150 = arith.muli %add3A_148, %mul3A_149 : i32
      %dma_wait3A_151 = tpu.memref_slice %arg7[%mul3A_150] : memref<1024xi32, #tpu.memory_space<vmem>> -> memref<8xi32, #tpu.memory_space<vmem>>
      %dma_wait3A_152 = arith.constant 0 : i32
      %dma_wait3A_153 = arith.constant 0 : i32
      %dma_wait3A_154 = tpu.memref_slice %arg2[%dma_wait3A_152, %dma_wait3A_153] : memref<100000x1024xf32, #tpu.memory_space<hbm>> -> memref<100000x1024xf32, #tpu.memory_space<hbm>>
      tpu.wait_indirect_dma semaphore(%arg17 : memref<!tpu.dma_semaphore, #tpu.memory_space<semaphore_mem>>) src(%dma_wait3A_154 : memref<100000x1024xf32, #tpu.memory_space<hbm>>) dst(%arg14 : memref<8x1024xf32, #tpu.memory_space<vmem>>)
      %dma_wait3A_155 = tpu.memref_slice %arg8[%mul3A_150] : memref<1024xi32, #tpu.memory_space<vmem>> -> memref<8xi32, #tpu.memory_space<vmem>>
      %dma_wait3A_156 = arith.constant 0 : i32
      %dma_wait3A_157 = arith.constant 0 : i32
      %dma_wait3A_158 = tpu.memref_slice %arg3[%dma_wait3A_156, %dma_wait3A_157] : memref<8192x1024xf32, #tpu.memory_space<hbm>> -> memref<8192x1024xf32, #tpu.memory_space<hbm>>
      tpu.wait_indirect_dma semaphore(%arg17 : memref<!tpu.dma_semaphore, #tpu.memory_space<semaphore_mem>>) src(%dma_wait3A_158 : memref<8192x1024xf32, #tpu.memory_space<hbm>>) dst(%arg15 : memref<8x1024xf32, #tpu.memory_space<vmem>>)
      %ge3A_159 = arith.constant 4 : i32
      %ge3A_160 = arith.cmpi sge, %add3A_148, %ge3A_159 : i32
      %convert_element_type3A_161 = arith.extui %ge3A_160 : i1 to i32
      %cond3A_162 = arith.constant 0 : i32
      %cond3A_163 = arith.cmpi ne, %convert_element_type3A_161, %cond3A_162 : i32
      scf.if %cond3A_163 {
        %sub3A_260 = arith.constant 4 : i32
        %sub3A_261 = arith.subi %add3A_148, %sub3A_260 : i32
        %mul3A_262 = arith.constant 8 : i32
        %mul3A_263 = arith.muli %sub3A_261, %mul3A_262 : i32
        %add3A_264 = arith.addi %mul3A_32, %mul3A_263 : i32
        %dma_wait3A_265 = arith.constant 0 : i32
        %dma_wait3A_266 = tpu.memref_slice %arg6[%add3A_264, %select_n3A_9, %dma_wait3A_265] : memref<8192x4x1024xf32, #tpu.memory_space<hbm>> -> memref<8x1x1024xf32, #tpu.memory_space<hbm>>
        %dma_wait3A_267 = tpu.memref_squeeze %dma_wait3A_266 : memref<8x1x1024xf32, #tpu.memory_space<hbm>> -> memref<8x1024xf32, #tpu.memory_space<hbm>>
        %dma_wait3A_268 = arith.constant 0 : i32
        %dma_wait3A_269 = tpu.memref_slice %arg6[%add3A_264, %select_n3A_9, %dma_wait3A_268] : memref<8192x4x1024xf32, #tpu.memory_space<hbm>> -> memref<8x1x1024xf32, #tpu.memory_space<hbm>>
        %dma_wait3A_270 = tpu.memref_squeeze %dma_wait3A_269 : memref<8x1x1024xf32, #tpu.memory_space<hbm>> -> memref<8x1024xf32, #tpu.memory_space<hbm>>
        tpu.wait_dma2 semaphore(%arg18 : memref<!tpu.dma_semaphore, #tpu.memory_space<semaphore_mem>>) src(%arg16 : memref<8x1024xf32, #tpu.memory_space<vmem>>) dst(%dma_wait3A_270 : memref<8x1024xf32, #tpu.memory_space<hbm>>)
      } else {
      }
      %parallel_loop3A_164 = arith.constant 0 : i32
      %parallel_loop3A_165 = arith.constant 512 : i32
      %parallel_loop3A_166 = arith.constant 1 : i32
      scf.for %parallel_loop3A_260 = %parallel_loop3A_164 to %parallel_loop3A_165 step %parallel_loop3A_166  : i32 {
        %parallel_loop3A_261 = arith.constant 64 : i32
        %parallel_loop3A_262 = arith.divsi %parallel_loop3A_260, %parallel_loop3A_261 : i32
        %parallel_loop3A_263 = arith.constant 0 : i32
        %parallel_loop3A_264 = arith.cmpi sgt, %parallel_loop3A_260, %parallel_loop3A_263 : i32
        %parallel_loop3A_265 = arith.extui %parallel_loop3A_264 : i1 to i32
        %parallel_loop3A_266 = arith.constant 0 : i32
        %parallel_loop3A_267 = arith.cmpi slt, %parallel_loop3A_260, %parallel_loop3A_266 : i32
        %parallel_loop3A_268 = arith.extui %parallel_loop3A_267 : i1 to i32
        %parallel_loop3A_269 = arith.subi %parallel_loop3A_265, %parallel_loop3A_268 : i32
        %parallel_loop3A_270 = arith.constant 0 : i32
        %parallel_loop3A_271 = arith.cmpi sgt, %parallel_loop3A_261, %parallel_loop3A_270 : i32
        %parallel_loop3A_272 = arith.extui %parallel_loop3A_271 : i1 to i32
        %parallel_loop3A_273 = arith.constant 0 : i32
        %parallel_loop3A_274 = arith.cmpi slt, %parallel_loop3A_261, %parallel_loop3A_273 : i32
        %parallel_loop3A_275 = arith.extui %parallel_loop3A_274 : i1 to i32
        %parallel_loop3A_276 = arith.subi %parallel_loop3A_272, %parallel_loop3A_275 : i32
        %parallel_loop3A_277 = arith.cmpi ne, %parallel_loop3A_269, %parallel_loop3A_276 : i32
        %parallel_loop3A_278 = arith.remsi %parallel_loop3A_260, %parallel_loop3A_261 : i32
        %parallel_loop3A_279 = arith.constant 0 : i32
        %parallel_loop3A_280 = arith.cmpi ne, %parallel_loop3A_278, %parallel_loop3A_279 : i32
        %parallel_loop3A_281 = arith.andi %parallel_loop3A_277, %parallel_loop3A_280 : i1
        %parallel_loop3A_282 = arith.constant 1 : i32
        %parallel_loop3A_283 = arith.subi %parallel_loop3A_262, %parallel_loop3A_282 : i32
        %parallel_loop3A_284 = arith.select %parallel_loop3A_281, %parallel_loop3A_283, %parallel_loop3A_262 : i32
        %parallel_loop3A_285 = arith.constant 64 : i32
        %parallel_loop3A_286 = arith.constant 0 : i32
        %parallel_loop3A_287 = arith.cmpi eq, %parallel_loop3A_285, %parallel_loop3A_286 : i32
        %parallel_loop3A_288 = arith.constant 1 : i32
        %parallel_loop3A_289 = arith.select %parallel_loop3A_287, %parallel_loop3A_288, %parallel_loop3A_285 : i32
        %parallel_loop3A_290 = arith.remsi %parallel_loop3A_260, %parallel_loop3A_289 : i32
        %parallel_loop3A_291 = arith.constant 0 : i32
        %parallel_loop3A_292 = arith.cmpi ne, %parallel_loop3A_290, %parallel_loop3A_291 : i32
        %parallel_loop3A_293 = arith.constant 0 : i32
        %parallel_loop3A_294 = arith.cmpi slt, %parallel_loop3A_290, %parallel_loop3A_293 : i32
        %parallel_loop3A_295 = arith.constant 0 : i32
        %parallel_loop3A_296 = arith.cmpi slt, %parallel_loop3A_289, %parallel_loop3A_295 : i32
        %parallel_loop3A_297 = arith.xori %parallel_loop3A_294, %parallel_loop3A_296 : i1
        %parallel_loop3A_298 = arith.andi %parallel_loop3A_297, %parallel_loop3A_292 : i1
        %parallel_loop3A_299 = arith.addi %parallel_loop3A_290, %parallel_loop3A_289 : i32
        %parallel_loop3A_300 = arith.select %parallel_loop3A_298, %parallel_loop3A_299, %parallel_loop3A_290 : i32
        %parallel_loop3A_301 = arith.constant 16 : i32
        %parallel_loop3A_302 = arith.muli %parallel_loop3A_300, %parallel_loop3A_301 : i32
        %parallel_loop3A_303 = arith.index_cast %parallel_loop3A_284 : i32 to index
        %parallel_loop3A_304 = arith.index_cast %parallel_loop3A_302 : i32 to index
        %parallel_loop3A_305 = tpu.vector_load %arg14[%parallel_loop3A_303, %parallel_loop3A_304] {strides = array<i32>} : memref<8x1024xf32, #tpu.memory_space<vmem>>, vector<1x16xf32>,
        %parallel_loop3A_306 = vector.shape_cast %parallel_loop3A_305 : vector<1x16xf32> to vector<16xf32>
        %parallel_loop3A_307 = arith.index_cast %parallel_loop3A_284 : i32 to index
        %parallel_loop3A_308 = arith.index_cast %parallel_loop3A_302 : i32 to index
        %parallel_loop3A_309 = tpu.vector_load %arg15[%parallel_loop3A_307, %parallel_loop3A_308] {strides = array<i32>} : memref<8x1024xf32, #tpu.memory_space<vmem>>, vector<1x16xf32>,
        %parallel_loop3A_310 = vector.shape_cast %parallel_loop3A_309 : vector<1x16xf32> to vector<16xf32>
        %parallel_loop3A_311 = arith.addf %parallel_loop3A_306, %parallel_loop3A_310 : vector<16xf32>
        %parallel_loop3A_312 = arith.index_cast %parallel_loop3A_284 : i32 to index
        %parallel_loop3A_313 = arith.index_cast %parallel_loop3A_302 : i32 to index
        %parallel_loop3A_314 = tpu.vector_load %arg16[%parallel_loop3A_312, %parallel_loop3A_313] {strides = array<i32>} : memref<8x1024xf32, #tpu.memory_space<vmem>>, vector<1x16xf32>,
        %parallel_loop3A_315 = vector.shape_cast %parallel_loop3A_314 : vector<1x16xf32> to vector<16xf32>
        %parallel_loop3A_316 = vector.shape_cast %parallel_loop3A_311 : vector<16xf32> to vector<1x16xf32>
        tpu.vector_store %arg16[%parallel_loop3A_312, %parallel_loop3A_313], %parallel_loop3A_316 {strides = array<i32>} : memref<8x1024xf32, #tpu.memory_space<vmem>>, vector<1x16xf32>,
      } {sc.loop_unroll_factor = 16 : i64, sc.parallel_access}
      %add3A_167 = arith.constant 4 : i32
      %add3A_168 = arith.addi %add3A_148, %add3A_167 : i32
      %lt3A_169 = arith.constant 128 : i32
      %lt3A_170 = arith.cmpi slt, %add3A_168, %lt3A_169 : i32
      %convert_element_type3A_171 = arith.extui %lt3A_170 : i1 to i32
      %cond3A_172 = arith.constant 0 : i32
      %cond3A_173 = arith.cmpi ne, %convert_element_type3A_171, %cond3A_172 : i32
      scf.if %cond3A_173 {
        %add3A_260 = arith.constant 4 : i32
        %add3A_261 = arith.addi %add3A_148, %add3A_260 : i32
        %mul3A_262 = arith.constant 8 : i32
        %mul3A_263 = arith.muli %add3A_261, %mul3A_262 : i32
        %dma_start3A_264 = tpu.memref_slice %arg7[%mul3A_263] : memref<1024xi32, #tpu.memory_space<vmem>> -> memref<8xi32, #tpu.memory_space<vmem>>
        %dma_start3A_265 = arith.constant 0 : i32
        %dma_start3A_266 = arith.constant 0 : i32
        %dma_start3A_267 = tpu.memref_slice %arg2[%dma_start3A_265, %dma_start3A_266] : memref<100000x1024xf32, #tpu.memory_space<hbm>> -> memref<100000x1024xf32, #tpu.memory_space<hbm>>
        tpu.enqueue_indirect_dma source(%dma_start3A_267 : memref<100000x1024xf32, #tpu.memory_space<hbm>>) target(%arg14 : memref<8x1024xf32, #tpu.memory_space<vmem>>) offsets(%dma_start3A_264 : memref<8xi32, #tpu.memory_space<vmem>>) semaphore(%arg17 : memref<!tpu.dma_semaphore, #tpu.memory_space<semaphore_mem>>)
        %dma_start3A_268 = tpu.memref_slice %arg8[%mul3A_263] : memref<1024xi32, #tpu.memory_space<vmem>> -> memref<8xi32, #tpu.memory_space<vmem>>
        %dma_start3A_269 = arith.constant 0 : i32
        %dma_start3A_270 = arith.constant 0 : i32
        %dma_start3A_271 = tpu.memref_slice %arg3[%dma_start3A_269, %dma_start3A_270] : memref<8192x1024xf32, #tpu.memory_space<hbm>> -> memref<8192x1024xf32, #tpu.memory_space<hbm>>
        tpu.enqueue_indirect_dma source(%dma_start3A_271 : memref<8192x1024xf32, #tpu.memory_space<hbm>>) target(%arg15 : memref<8x1024xf32, #tpu.memory_space<vmem>>) offsets(%dma_start3A_268 : memref<8xi32, #tpu.memory_space<vmem>>) semaphore(%arg17 : memref<!tpu.dma_semaphore, #tpu.memory_space<semaphore_mem>>)
      } else {
      }
      %mul3A_174 = arith.constant 8 : i32
      %mul3A_175 = arith.muli %add3A_148, %mul3A_174 : i32
      %add3A_176 = arith.addi %mul3A_32, %mul3A_175 : i32
      %dma_start3A_177 = arith.constant 0 : i32
      %dma_start3A_178 = tpu.memref_slice %arg6[%add3A_176, %select_n3A_9, %dma_start3A_177] : memref<8192x4x1024xf32, #tpu.memory_space<hbm>> -> memref<8x1x1024xf32, #tpu.memory_space<hbm>>
      %dma_start3A_179 = tpu.memref_squeeze %dma_start3A_178 : memref<8x1x1024xf32, #tpu.memory_space<hbm>> -> memref<8x1024xf32, #tpu.memory_space<hbm>>
      %dma_start3A_180 = arith.constant 0 : i32
      %dma_start3A_181 = tpu.memref_slice %arg6[%add3A_176, %select_n3A_9, %dma_start3A_180] : memref<8192x4x1024xf32, #tpu.memory_space<hbm>> -> memref<8x1x1024xf32, #tpu.memory_space<hbm>>
      %dma_start3A_182 = tpu.memref_squeeze %dma_start3A_181 : memref<8x1x1024xf32, #tpu.memory_space<hbm>> -> memref<8x1024xf32, #tpu.memory_space<hbm>>
      tpu.enqueue_dma source(%arg16 : memref<8x1024xf32, #tpu.memory_space<vmem>>) target(%dma_start3A_182 : memref<8x1024xf32, #tpu.memory_space<hbm>>) target_semaphore(%arg18 : memref<!tpu.dma_semaphore, #tpu.memory_space<semaphore_mem>>)
      %mul3A_183 = arith.constant 4 : i32
      %mul3A_184 = arith.muli %scan3A_109, %mul3A_183 : i32
      %add3A_185 = arith.constant 2 : i32
      %add3A_186 = arith.addi %mul3A_184, %add3A_185 : i32
      %mul3A_187 = arith.constant 8 : i32
      %mul3A_188 = arith.muli %add3A_186, %mul3A_187 : i32
      %dma_wait3A_189 = tpu.memref_slice %arg7[%mul3A_188] : memref<1024xi32, #tpu.memory_space<vmem>> -> memref<8xi32, #tpu.memory_space<vmem>>
      %dma_wait3A_190 = arith.constant 0 : i32
      %dma_wait3A_191 = arith.constant 0 : i32
      %dma_wait3A_192 = tpu.memref_slice %arg2[%dma_wait3A_190, %dma_wait3A_191] : memref<100000x1024xf32, #tpu.memory_space<hbm>> -> memref<100000x1024xf32, #tpu.memory_space<hbm>>
      tpu.wait_indirect_dma semaphore(%arg22 : memref<!tpu.dma_semaphore, #tpu.memory_space<semaphore_mem>>) src(%dma_wait3A_192 : memref<100000x1024xf32, #tpu.memory_space<hbm>>) dst(%arg19 : memref<8x1024xf32, #tpu.memory_space<vmem>>)
      %dma_wait3A_193 = tpu.memref_slice %arg8[%mul3A_188] : memref<1024xi32, #tpu.memory_space<vmem>> -> memref<8xi32, #tpu.memory_space<vmem>>
      %dma_wait3A_194 = arith.constant 0 : i32
      %dma_wait3A_195 = arith.constant 0 : i32
      %dma_wait3A_196 = tpu.memref_slice %arg3[%dma_wait3A_194, %dma_wait3A_195] : memref<8192x1024xf32, #tpu.memory_space<hbm>> -> memref<8192x1024xf32, #tpu.memory_space<hbm>>
      tpu.wait_indirect_dma semaphore(%arg22 : memref<!tpu.dma_semaphore, #tpu.memory_space<semaphore_mem>>) src(%dma_wait3A_196 : memref<8192x1024xf32, #tpu.memory_space<hbm>>) dst(%arg20 : memref<8x1024xf32, #tpu.memory_space<vmem>>)
      %ge3A_197 = arith.constant 4 : i32
      %ge3A_198 = arith.cmpi sge, %add3A_186, %ge3A_197 : i32
      %convert_element_type3A_199 = arith.extui %ge3A_198 : i1 to i32
      %cond3A_200 = arith.constant 0 : i32
      %cond3A_201 = arith.cmpi ne, %convert_element_type3A_199, %cond3A_200 : i32
      scf.if %cond3A_201 {
        %sub3A_260 = arith.constant 4 : i32
        %sub3A_261 = arith.subi %add3A_186, %sub3A_260 : i32
        %mul3A_262 = arith.constant 8 : i32
        %mul3A_263 = arith.muli %sub3A_261, %mul3A_262 : i32
        %add3A_264 = arith.addi %mul3A_32, %mul3A_263 : i32
        %dma_wait3A_265 = arith.constant 0 : i32
        %dma_wait3A_266 = tpu.memref_slice %arg6[%add3A_264, %select_n3A_9, %dma_wait3A_265] : memref<8192x4x1024xf32, #tpu.memory_space<hbm>> -> memref<8x1x1024xf32, #tpu.memory_space<hbm>>
        %dma_wait3A_267 = tpu.memref_squeeze %dma_wait3A_266 : memref<8x1x1024xf32, #tpu.memory_space<hbm>> -> memref<8x1024xf32, #tpu.memory_space<hbm>>
        %dma_wait3A_268 = arith.constant 0 : i32
        %dma_wait3A_269 = tpu.memref_slice %arg6[%add3A_264, %select_n3A_9, %dma_wait3A_268] : memref<8192x4x1024xf32, #tpu.memory_space<hbm>> -> memref<8x1x1024xf32, #tpu.memory_space<hbm>>
        %dma_wait3A_270 = tpu.memref_squeeze %dma_wait3A_269 : memref<8x1x1024xf32, #tpu.memory_space<hbm>> -> memref<8x1024xf32, #tpu.memory_space<hbm>>
        tpu.wait_dma2 semaphore(%arg23 : memref<!tpu.dma_semaphore, #tpu.memory_space<semaphore_mem>>) src(%arg21 : memref<8x1024xf32, #tpu.memory_space<vmem>>) dst(%dma_wait3A_270 : memref<8x1024xf32, #tpu.memory_space<hbm>>)
      } else {
      }
      %parallel_loop3A_202 = arith.constant 0 : i32
      %parallel_loop3A_203 = arith.constant 512 : i32
      %parallel_loop3A_204 = arith.constant 1 : i32
      scf.for %parallel_loop3A_260 = %parallel_loop3A_202 to %parallel_loop3A_203 step %parallel_loop3A_204  : i32 {
        %parallel_loop3A_261 = arith.constant 64 : i32
        %parallel_loop3A_262 = arith.divsi %parallel_loop3A_260, %parallel_loop3A_261 : i32
        %parallel_loop3A_263 = arith.constant 0 : i32
        %parallel_loop3A_264 = arith.cmpi sgt, %parallel_loop3A_260, %parallel_loop3A_263 : i32
        %parallel_loop3A_265 = arith.extui %parallel_loop3A_264 : i1 to i32
        %parallel_loop3A_266 = arith.constant 0 : i32
        %parallel_loop3A_267 = arith.cmpi slt, %parallel_loop3A_260, %parallel_loop3A_266 : i32
        %parallel_loop3A_268 = arith.extui %parallel_loop3A_267 : i1 to i32
        %parallel_loop3A_269 = arith.subi %parallel_loop3A_265, %parallel_loop3A_268 : i32
        %parallel_loop3A_270 = arith.constant 0 : i32
        %parallel_loop3A_271 = arith.cmpi sgt, %parallel_loop3A_261, %parallel_loop3A_270 : i32
        %parallel_loop3A_272 = arith.extui %parallel_loop3A_271 : i1 to i32
        %parallel_loop3A_273 = arith.constant 0 : i32
        %parallel_loop3A_274 = arith.cmpi slt, %parallel_loop3A_261, %parallel_loop3A_273 : i32
        %parallel_loop3A_275 = arith.extui %parallel_loop3A_274 : i1 to i32
        %parallel_loop3A_276 = arith.subi %parallel_loop3A_272, %parallel_loop3A_275 : i32
        %parallel_loop3A_277 = arith.cmpi ne, %parallel_loop3A_269, %parallel_loop3A_276 : i32
        %parallel_loop3A_278 = arith.remsi %parallel_loop3A_260, %parallel_loop3A_261 : i32
        %parallel_loop3A_279 = arith.constant 0 : i32
        %parallel_loop3A_280 = arith.cmpi ne, %parallel_loop3A_278, %parallel_loop3A_279 : i32
        %parallel_loop3A_281 = arith.andi %parallel_loop3A_277, %parallel_loop3A_280 : i1
        %parallel_loop3A_282 = arith.constant 1 : i32
        %parallel_loop3A_283 = arith.subi %parallel_loop3A_262, %parallel_loop3A_282 : i32
        %parallel_loop3A_284 = arith.select %parallel_loop3A_281, %parallel_loop3A_283, %parallel_loop3A_262 : i32
        %parallel_loop3A_285 = arith.constant 64 : i32
        %parallel_loop3A_286 = arith.constant 0 : i32
        %parallel_loop3A_287 = arith.cmpi eq, %parallel_loop3A_285, %parallel_loop3A_286 : i32
        %parallel_loop3A_288 = arith.constant 1 : i32
        %parallel_loop3A_289 = arith.select %parallel_loop3A_287, %parallel_loop3A_288, %parallel_loop3A_285 : i32
        %parallel_loop3A_290 = arith.remsi %parallel_loop3A_260, %parallel_loop3A_289 : i32
        %parallel_loop3A_291 = arith.constant 0 : i32
        %parallel_loop3A_292 = arith.cmpi ne, %parallel_loop3A_290, %parallel_loop3A_291 : i32
        %parallel_loop3A_293 = arith.constant 0 : i32
        %parallel_loop3A_294 = arith.cmpi slt, %parallel_loop3A_290, %parallel_loop3A_293 : i32
        %parallel_loop3A_295 = arith.constant 0 : i32
        %parallel_loop3A_296 = arith.cmpi slt, %parallel_loop3A_289, %parallel_loop3A_295 : i32
        %parallel_loop3A_297 = arith.xori %parallel_loop3A_294, %parallel_loop3A_296 : i1
        %parallel_loop3A_298 = arith.andi %parallel_loop3A_297, %parallel_loop3A_292 : i1
        %parallel_loop3A_299 = arith.addi %parallel_loop3A_290, %parallel_loop3A_289 : i32
        %parallel_loop3A_300 = arith.select %parallel_loop3A_298, %parallel_loop3A_299, %parallel_loop3A_290 : i32
        %parallel_loop3A_301 = arith.constant 16 : i32
        %parallel_loop3A_302 = arith.muli %parallel_loop3A_300, %parallel_loop3A_301 : i32
        %parallel_loop3A_303 = arith.index_cast %parallel_loop3A_284 : i32 to index
        %parallel_loop3A_304 = arith.index_cast %parallel_loop3A_302 : i32 to index
        %parallel_loop3A_305 = tpu.vector_load %arg19[%parallel_loop3A_303, %parallel_loop3A_304] {strides = array<i32>} : memref<8x1024xf32, #tpu.memory_space<vmem>>, vector<1x16xf32>,
        %parallel_loop3A_306 = vector.shape_cast %parallel_loop3A_305 : vector<1x16xf32> to vector<16xf32>
        %parallel_loop3A_307 = arith.index_cast %parallel_loop3A_284 : i32 to index
        %parallel_loop3A_308 = arith.index_cast %parallel_loop3A_302 : i32 to index
        %parallel_loop3A_309 = tpu.vector_load %arg20[%parallel_loop3A_307, %parallel_loop3A_308] {strides = array<i32>} : memref<8x1024xf32, #tpu.memory_space<vmem>>, vector<1x16xf32>,
        %parallel_loop3A_310 = vector.shape_cast %parallel_loop3A_309 : vector<1x16xf32> to vector<16xf32>
        %parallel_loop3A_311 = arith.addf %parallel_loop3A_306, %parallel_loop3A_310 : vector<16xf32>
        %parallel_loop3A_312 = arith.index_cast %parallel_loop3A_284 : i32 to index
        %parallel_loop3A_313 = arith.index_cast %parallel_loop3A_302 : i32 to index
        %parallel_loop3A_314 = tpu.vector_load %arg21[%parallel_loop3A_312, %parallel_loop3A_313] {strides = array<i32>} : memref<8x1024xf32, #tpu.memory_space<vmem>>, vector<1x16xf32>,
        %parallel_loop3A_315 = vector.shape_cast %parallel_loop3A_314 : vector<1x16xf32> to vector<16xf32>
        %parallel_loop3A_316 = vector.shape_cast %parallel_loop3A_311 : vector<16xf32> to vector<1x16xf32>
        tpu.vector_store %arg21[%parallel_loop3A_312, %parallel_loop3A_313], %parallel_loop3A_316 {strides = array<i32>} : memref<8x1024xf32, #tpu.memory_space<vmem>>, vector<1x16xf32>,
      } {sc.loop_unroll_factor = 16 : i64, sc.parallel_access}
      %add3A_205 = arith.constant 4 : i32
      %add3A_206 = arith.addi %add3A_186, %add3A_205 : i32
      %lt3A_207 = arith.constant 128 : i32
      %lt3A_208 = arith.cmpi slt, %add3A_206, %lt3A_207 : i32
      %convert_element_type3A_209 = arith.extui %lt3A_208 : i1 to i32
      %cond3A_210 = arith.constant 0 : i32
      %cond3A_211 = arith.cmpi ne, %convert_element_type3A_209, %cond3A_210 : i32
      scf.if %cond3A_211 {
        %add3A_260 = arith.constant 4 : i32
        %add3A_261 = arith.addi %add3A_186, %add3A_260 : i32
        %mul3A_262 = arith.constant 8 : i32
        %mul3A_263 = arith.muli %add3A_261, %mul3A_262 : i32
        %dma_start3A_264 = tpu.memref_slice %arg7[%mul3A_263] : memref<1024xi32, #tpu.memory_space<vmem>> -> memref<8xi32, #tpu.memory_space<vmem>>
        %dma_start3A_265 = arith.constant 0 : i32
        %dma_start3A_266 = arith.constant 0 : i32
        %dma_start3A_267 = tpu.memref_slice %arg2[%dma_start3A_265, %dma_start3A_266] : memref<100000x1024xf32, #tpu.memory_space<hbm>> -> memref<100000x1024xf32, #tpu.memory_space<hbm>>
        tpu.enqueue_indirect_dma source(%dma_start3A_267 : memref<100000x1024xf32, #tpu.memory_space<hbm>>) target(%arg19 : memref<8x1024xf32, #tpu.memory_space<vmem>>) offsets(%dma_start3A_264 : memref<8xi32, #tpu.memory_space<vmem>>) semaphore(%arg22 : memref<!tpu.dma_semaphore, #tpu.memory_space<semaphore_mem>>)
        %dma_start3A_268 = tpu.memref_slice %arg8[%mul3A_263] : memref<1024xi32, #tpu.memory_space<vmem>> -> memref<8xi32, #tpu.memory_space<vmem>>
        %dma_start3A_269 = arith.constant 0 : i32
        %dma_start3A_270 = arith.constant 0 : i32
        %dma_start3A_271 = tpu.memref_slice %arg3[%dma_start3A_269, %dma_start3A_270] : memref<8192x1024xf32, #tpu.memory_space<hbm>> -> memref<8192x1024xf32, #tpu.memory_space<hbm>>
        tpu.enqueue_indirect_dma source(%dma_start3A_271 : memref<8192x1024xf32, #tpu.memory_space<hbm>>) target(%arg20 : memref<8x1024xf32, #tpu.memory_space<vmem>>) offsets(%dma_start3A_268 : memref<8xi32, #tpu.memory_space<vmem>>) semaphore(%arg22 : memref<!tpu.dma_semaphore, #tpu.memory_space<semaphore_mem>>)
      } else {
      }
      %mul3A_212 = arith.constant 8 : i32
      %mul3A_213 = arith.muli %add3A_186, %mul3A_212 : i32
      %add3A_214 = arith.addi %mul3A_32, %mul3A_213 : i32
      %dma_start3A_215 = arith.constant 0 : i32
      %dma_start3A_216 = tpu.memref_slice %arg6[%add3A_214, %select_n3A_9, %dma_start3A_215] : memref<8192x4x1024xf32, #tpu.memory_space<hbm>> -> memref<8x1x1024xf32, #tpu.memory_space<hbm>>
      %dma_start3A_217 = tpu.memref_squeeze %dma_start3A_216 : memref<8x1x1024xf32, #tpu.memory_space<hbm>> -> memref<8x1024xf32, #tpu.memory_space<hbm>>
      %dma_start3A_218 = arith.constant 0 : i32
      %dma_start3A_219 = tpu.memref_slice %arg6[%add3A_214, %select_n3A_9, %dma_start3A_218] : memref<8192x4x1024xf32, #tpu.memory_space<hbm>> -> memref<8x1x1024xf32, #tpu.memory_space<hbm>>
      %dma_start3A_220 = tpu.memref_squeeze %dma_start3A_219 : memref<8x1x1024xf32, #tpu.memory_space<hbm>> -> memref<8x1024xf32, #tpu.memory_space<hbm>>
      tpu.enqueue_dma source(%arg21 : memref<8x1024xf32, #tpu.memory_space<vmem>>) target(%dma_start3A_220 : memref<8x1024xf32, #tpu.memory_space<hbm>>) target_semaphore(%arg23 : memref<!tpu.dma_semaphore, #tpu.memory_space<semaphore_mem>>)
      %mul3A_221 = arith.constant 4 : i32
      %mul3A_222 = arith.muli %scan3A_109, %mul3A_221 : i32
      %add3A_223 = arith.constant 3 : i32
      %add3A_224 = arith.addi %mul3A_222, %add3A_223 : i32
      %mul3A_225 = arith.constant 8 : i32
      %mul3A_226 = arith.muli %add3A_224, %mul3A_225 : i32
      %dma_wait3A_227 = tpu.memref_slice %arg7[%mul3A_226] : memref<1024xi32, #tpu.memory_space<vmem>> -> memref<8xi32, #tpu.memory_space<vmem>>
      %dma_wait3A_228 = arith.constant 0 : i32
      %dma_wait3A_229 = arith.constant 0 : i32
      %dma_wait3A_230 = tpu.memref_slice %arg2[%dma_wait3A_228, %dma_wait3A_229] : memref<100000x1024xf32, #tpu.memory_space<hbm>> -> memref<100000x1024xf32, #tpu.memory_space<hbm>>
      tpu.wait_indirect_dma semaphore(%arg27 : memref<!tpu.dma_semaphore, #tpu.memory_space<semaphore_mem>>) src(%dma_wait3A_230 : memref<100000x1024xf32, #tpu.memory_space<hbm>>) dst(%arg24 : memref<8x1024xf32, #tpu.memory_space<vmem>>)
      %dma_wait3A_231 = tpu.memref_slice %arg8[%mul3A_226] : memref<1024xi32, #tpu.memory_space<vmem>> -> memref<8xi32, #tpu.memory_space<vmem>>
      %dma_wait3A_232 = arith.constant 0 : i32
      %dma_wait3A_233 = arith.constant 0 : i32
      %dma_wait3A_234 = tpu.memref_slice %arg3[%dma_wait3A_232, %dma_wait3A_233] : memref<8192x1024xf32, #tpu.memory_space<hbm>> -> memref<8192x1024xf32, #tpu.memory_space<hbm>>
      tpu.wait_indirect_dma semaphore(%arg27 : memref<!tpu.dma_semaphore, #tpu.memory_space<semaphore_mem>>) src(%dma_wait3A_234 : memref<8192x1024xf32, #tpu.memory_space<hbm>>) dst(%arg25 : memref<8x1024xf32, #tpu.memory_space<vmem>>)
      %ge3A_235 = arith.constant 4 : i32
      %ge3A_236 = arith.cmpi sge, %add3A_224, %ge3A_235 : i32
      %convert_element_type3A_237 = arith.extui %ge3A_236 : i1 to i32
      %cond3A_238 = arith.constant 0 : i32
      %cond3A_239 = arith.cmpi ne, %convert_element_type3A_237, %cond3A_238 : i32
      scf.if %cond3A_239 {
        %sub3A_260 = arith.constant 4 : i32
        %sub3A_261 = arith.subi %add3A_224, %sub3A_260 : i32
        %mul3A_262 = arith.constant 8 : i32
        %mul3A_263 = arith.muli %sub3A_261, %mul3A_262 : i32
        %add3A_264 = arith.addi %mul3A_32, %mul3A_263 : i32
        %dma_wait3A_265 = arith.constant 0 : i32
        %dma_wait3A_266 = tpu.memref_slice %arg6[%add3A_264, %select_n3A_9, %dma_wait3A_265] : memref<8192x4x1024xf32, #tpu.memory_space<hbm>> -> memref<8x1x1024xf32, #tpu.memory_space<hbm>>
        %dma_wait3A_267 = tpu.memref_squeeze %dma_wait3A_266 : memref<8x1x1024xf32, #tpu.memory_space<hbm>> -> memref<8x1024xf32, #tpu.memory_space<hbm>>
        %dma_wait3A_268 = arith.constant 0 : i32
        %dma_wait3A_269 = tpu.memref_slice %arg6[%add3A_264, %select_n3A_9, %dma_wait3A_268] : memref<8192x4x1024xf32, #tpu.memory_space<hbm>> -> memref<8x1x1024xf32, #tpu.memory_space<hbm>>
        %dma_wait3A_270 = tpu.memref_squeeze %dma_wait3A_269 : memref<8x1x1024xf32, #tpu.memory_space<hbm>> -> memref<8x1024xf32, #tpu.memory_space<hbm>>
        tpu.wait_dma2 semaphore(%arg28 : memref<!tpu.dma_semaphore, #tpu.memory_space<semaphore_mem>>) src(%arg26 : memref<8x1024xf32, #tpu.memory_space<vmem>>) dst(%dma_wait3A_270 : memref<8x1024xf32, #tpu.memory_space<hbm>>)
      } else {
      }
      %parallel_loop3A_240 = arith.constant 0 : i32
      %parallel_loop3A_241 = arith.constant 512 : i32
      %parallel_loop3A_242 = arith.constant 1 : i32
      scf.for %parallel_loop3A_260 = %parallel_loop3A_240 to %parallel_loop3A_241 step %parallel_loop3A_242  : i32 {
        %parallel_loop3A_261 = arith.constant 64 : i32
        %parallel_loop3A_262 = arith.divsi %parallel_loop3A_260, %parallel_loop3A_261 : i32
        %parallel_loop3A_263 = arith.constant 0 : i32
        %parallel_loop3A_264 = arith.cmpi sgt, %parallel_loop3A_260, %parallel_loop3A_263 : i32
        %parallel_loop3A_265 = arith.extui %parallel_loop3A_264 : i1 to i32
        %parallel_loop3A_266 = arith.constant 0 : i32
        %parallel_loop3A_267 = arith.cmpi slt, %parallel_loop3A_260, %parallel_loop3A_266 : i32
        %parallel_loop3A_268 = arith.extui %parallel_loop3A_267 : i1 to i32
        %parallel_loop3A_269 = arith.subi %parallel_loop3A_265, %parallel_loop3A_268 : i32
        %parallel_loop3A_270 = arith.constant 0 : i32
        %parallel_loop3A_271 = arith.cmpi sgt, %parallel_loop3A_261, %parallel_loop3A_270 : i32
        %parallel_loop3A_272 = arith.extui %parallel_loop3A_271 : i1 to i32
        %parallel_loop3A_273 = arith.constant 0 : i32
        %parallel_loop3A_274 = arith.cmpi slt, %parallel_loop3A_261, %parallel_loop3A_273 : i32
        %parallel_loop3A_275 = arith.extui %parallel_loop3A_274 : i1 to i32
        %parallel_loop3A_276 = arith.subi %parallel_loop3A_272, %parallel_loop3A_275 : i32
        %parallel_loop3A_277 = arith.cmpi ne, %parallel_loop3A_269, %parallel_loop3A_276 : i32
        %parallel_loop3A_278 = arith.remsi %parallel_loop3A_260, %parallel_loop3A_261 : i32
        %parallel_loop3A_279 = arith.constant 0 : i32
        %parallel_loop3A_280 = arith.cmpi ne, %parallel_loop3A_278, %parallel_loop3A_279 : i32
        %parallel_loop3A_281 = arith.andi %parallel_loop3A_277, %parallel_loop3A_280 : i1
        %parallel_loop3A_282 = arith.constant 1 : i32
        %parallel_loop3A_283 = arith.subi %parallel_loop3A_262, %parallel_loop3A_282 : i32
        %parallel_loop3A_284 = arith.select %parallel_loop3A_281, %parallel_loop3A_283, %parallel_loop3A_262 : i32
        %parallel_loop3A_285 = arith.constant 64 : i32
        %parallel_loop3A_286 = arith.constant 0 : i32
        %parallel_loop3A_287 = arith.cmpi eq, %parallel_loop3A_285, %parallel_loop3A_286 : i32
        %parallel_loop3A_288 = arith.constant 1 : i32
        %parallel_loop3A_289 = arith.select %parallel_loop3A_287, %parallel_loop3A_288, %parallel_loop3A_285 : i32
        %parallel_loop3A_290 = arith.remsi %parallel_loop3A_260, %parallel_loop3A_289 : i32
        %parallel_loop3A_291 = arith.constant 0 : i32
        %parallel_loop3A_292 = arith.cmpi ne, %parallel_loop3A_290, %parallel_loop3A_291 : i32
        %parallel_loop3A_293 = arith.constant 0 : i32
        %parallel_loop3A_294 = arith.cmpi slt, %parallel_loop3A_290, %parallel_loop3A_293 : i32
        %parallel_loop3A_295 = arith.constant 0 : i32
        %parallel_loop3A_296 = arith.cmpi slt, %parallel_loop3A_289, %parallel_loop3A_295 : i32
        %parallel_loop3A_297 = arith.xori %parallel_loop3A_294, %parallel_loop3A_296 : i1
        %parallel_loop3A_298 = arith.andi %parallel_loop3A_297, %parallel_loop3A_292 : i1
        %parallel_loop3A_299 = arith.addi %parallel_loop3A_290, %parallel_loop3A_289 : i32
        %parallel_loop3A_300 = arith.select %parallel_loop3A_298, %parallel_loop3A_299, %parallel_loop3A_290 : i32
        %parallel_loop3A_301 = arith.constant 16 : i32
        %parallel_loop3A_302 = arith.muli %parallel_loop3A_300, %parallel_loop3A_301 : i32
        %parallel_loop3A_303 = arith.index_cast %parallel_loop3A_284 : i32 to index
        %parallel_loop3A_304 = arith.index_cast %parallel_loop3A_302 : i32 to index
        %parallel_loop3A_305 = tpu.vector_load %arg24[%parallel_loop3A_303, %parallel_loop3A_304] {strides = array<i32>} : memref<8x1024xf32, #tpu.memory_space<vmem>>, vector<1x16xf32>,
        %parallel_loop3A_306 = vector.shape_cast %parallel_loop3A_305 : vector<1x16xf32> to vector<16xf32>
        %parallel_loop3A_307 = arith.index_cast %parallel_loop3A_284 : i32 to index
        %parallel_loop3A_308 = arith.index_cast %parallel_loop3A_302 : i32 to index
        %parallel_loop3A_309 = tpu.vector_load %arg25[%parallel_loop3A_307, %parallel_loop3A_308] {strides = array<i32>} : memref<8x1024xf32, #tpu.memory_space<vmem>>, vector<1x16xf32>,
        %parallel_loop3A_310 = vector.shape_cast %parallel_loop3A_309 : vector<1x16xf32> to vector<16xf32>
        %parallel_loop3A_311 = arith.addf %parallel_loop3A_306, %parallel_loop3A_310 : vector<16xf32>
        %parallel_loop3A_312 = arith.index_cast %parallel_loop3A_284 : i32 to index
        %parallel_loop3A_313 = arith.index_cast %parallel_loop3A_302 : i32 to index
        %parallel_loop3A_314 = tpu.vector_load %arg26[%parallel_loop3A_312, %parallel_loop3A_313] {strides = array<i32>} : memref<8x1024xf32, #tpu.memory_space<vmem>>, vector<1x16xf32>,
        %parallel_loop3A_315 = vector.shape_cast %parallel_loop3A_314 : vector<1x16xf32> to vector<16xf32>
        %parallel_loop3A_316 = vector.shape_cast %parallel_loop3A_311 : vector<16xf32> to vector<1x16xf32>
        tpu.vector_store %arg26[%parallel_loop3A_312, %parallel_loop3A_313], %parallel_loop3A_316 {strides = array<i32>} : memref<8x1024xf32, #tpu.memory_space<vmem>>, vector<1x16xf32>,
      } {sc.loop_unroll_factor = 16 : i64, sc.parallel_access}
      %add3A_243 = arith.constant 4 : i32
      %add3A_244 = arith.addi %add3A_224, %add3A_243 : i32
      %lt3A_245 = arith.constant 128 : i32
      %lt3A_246 = arith.cmpi slt, %add3A_244, %lt3A_245 : i32
      %convert_element_type3A_247 = arith.extui %lt3A_246 : i1 to i32
      %cond3A_248 = arith.constant 0 : i32
      %cond3A_249 = arith.cmpi ne, %convert_element_type3A_247, %cond3A_248 : i32
      scf.if %cond3A_249 {
        %add3A_260 = arith.constant 4 : i32
        %add3A_261 = arith.addi %add3A_224, %add3A_260 : i32
        %mul3A_262 = arith.constant 8 : i32
        %mul3A_263 = arith.muli %add3A_261, %mul3A_262 : i32
        %dma_start3A_264 = tpu.memref_slice %arg7[%mul3A_263] : memref<1024xi32, #tpu.memory_space<vmem>> -> memref<8xi32, #tpu.memory_space<vmem>>
        %dma_start3A_265 = arith.constant 0 : i32
        %dma_start3A_266 = arith.constant 0 : i32
        %dma_start3A_267 = tpu.memref_slice %arg2[%dma_start3A_265, %dma_start3A_266] : memref<100000x1024xf32, #tpu.memory_space<hbm>> -> memref<100000x1024xf32, #tpu.memory_space<hbm>>
        tpu.enqueue_indirect_dma source(%dma_start3A_267 : memref<100000x1024xf32, #tpu.memory_space<hbm>>) target(%arg24 : memref<8x1024xf32, #tpu.memory_space<vmem>>) offsets(%dma_start3A_264 : memref<8xi32, #tpu.memory_space<vmem>>) semaphore(%arg27 : memref<!tpu.dma_semaphore, #tpu.memory_space<semaphore_mem>>)
        %dma_start3A_268 = tpu.memref_slice %arg8[%mul3A_263] : memref<1024xi32, #tpu.memory_space<vmem>> -> memref<8xi32, #tpu.memory_space<vmem>>
        %dma_start3A_269 = arith.constant 0 : i32
        %dma_start3A_270 = arith.constant 0 : i32
        %dma_start3A_271 = tpu.memref_slice %arg3[%dma_start3A_269, %dma_start3A_270] : memref<8192x1024xf32, #tpu.memory_space<hbm>> -> memref<8192x1024xf32, #tpu.memory_space<hbm>>
        tpu.enqueue_indirect_dma source(%dma_start3A_271 : memref<8192x1024xf32, #tpu.memory_space<hbm>>) target(%arg25 : memref<8x1024xf32, #tpu.memory_space<vmem>>) offsets(%dma_start3A_268 : memref<8xi32, #tpu.memory_space<vmem>>) semaphore(%arg27 : memref<!tpu.dma_semaphore, #tpu.memory_space<semaphore_mem>>)
      } else {
      }
      %mul3A_250 = arith.constant 8 : i32
      %mul3A_251 = arith.muli %add3A_224, %mul3A_250 : i32
      %add3A_252 = arith.addi %mul3A_32, %mul3A_251 : i32
      %dma_start3A_253 = arith.constant 0 : i32
      %dma_start3A_254 = tpu.memref_slice %arg6[%add3A_252, %select_n3A_9, %dma_start3A_253] : memref<8192x4x1024xf32, #tpu.memory_space<hbm>> -> memref<8x1x1024xf32, #tpu.memory_space<hbm>>
      %dma_start3A_255 = tpu.memref_squeeze %dma_start3A_254 : memref<8x1x1024xf32, #tpu.memory_space<hbm>> -> memref<8x1024xf32, #tpu.memory_space<hbm>>
      %dma_start3A_256 = arith.constant 0 : i32
      %dma_start3A_257 = tpu.memref_slice %arg6[%add3A_252, %select_n3A_9, %dma_start3A_256] : memref<8192x4x1024xf32, #tpu.memory_space<hbm>> -> memref<8x1x1024xf32, #tpu.memory_space<hbm>>
      %dma_start3A_258 = tpu.memref_squeeze %dma_start3A_257 : memref<8x1x1024xf32, #tpu.memory_space<hbm>> -> memref<8x1024xf32, #tpu.memory_space<hbm>>
      tpu.enqueue_dma source(%arg26 : memref<8x1024xf32, #tpu.memory_space<vmem>>) target(%dma_start3A_258 : memref<8x1024xf32, #tpu.memory_space<hbm>>) target_semaphore(%arg28 : memref<!tpu.dma_semaphore, #tpu.memory_space<semaphore_mem>>)
      %scan3A_259 = arith.constant 0 : i32
      scf.yield %scan3A_259 : i32
    }
    %scan3A_77 = arith.constant 32 : i32
    %add3A_78 = arith.constant 992 : i32
    %add3A_79 = arith.addi %mul3A_32, %add3A_78 : i32
    %dma_wait3A = arith.constant 0 : i32
    %dma_wait3A_80 = tpu.memref_slice %arg6[%add3A_79, %select_n3A_9, %dma_wait3A] : memref<8192x4x1024xf32, #tpu.memory_space<hbm>> -> memref<8x1x1024xf32, #tpu.memory_space<hbm>>
    %dma_wait3A_81 = tpu.memref_squeeze %dma_wait3A_80 : memref<8x1x1024xf32, #tpu.memory_space<hbm>> -> memref<8x1024xf32, #tpu.memory_space<hbm>>
    %dma_wait3A_82 = arith.constant 0 : i32
    %dma_wait3A_83 = tpu.memref_slice %arg6[%add3A_79, %select_n3A_9, %dma_wait3A_82] : memref<8192x4x1024xf32, #tpu.memory_space<hbm>> -> memref<8x1x1024xf32, #tpu.memory_space<hbm>>
    %dma_wait3A_84 = tpu.memref_squeeze %dma_wait3A_83 : memref<8x1x1024xf32, #tpu.memory_space<hbm>> -> memref<8x1024xf32, #tpu.memory_space<hbm>>
    tpu.wait_dma2 semaphore(%arg13 : memref<!tpu.dma_semaphore, #tpu.memory_space<semaphore_mem>>) src(%arg11 : memref<8x1024xf32, #tpu.memory_space<vmem>>) dst(%dma_wait3A_84 : memref<8x1024xf32, #tpu.memory_space<hbm>>)
    %add3A_85 = arith.constant 1000 : i32
    %add3A_86 = arith.addi %mul3A_32, %add3A_85 : i32
    %dma_wait3A_87 = arith.constant 0 : i32
    %dma_wait3A_88 = tpu.memref_slice %arg6[%add3A_86, %select_n3A_9, %dma_wait3A_87] : memref<8192x4x1024xf32, #tpu.memory_space<hbm>> -> memref<8x1x1024xf32, #tpu.memory_space<hbm>>
    %dma_wait3A_89 = tpu.memref_squeeze %dma_wait3A_88 : memref<8x1x1024xf32, #tpu.memory_space<hbm>> -> memref<8x1024xf32, #tpu.memory_space<hbm>>
    %dma_wait3A_90 = arith.constant 0 : i32
    %dma_wait3A_91 = tpu.memref_slice %arg6[%add3A_86, %select_n3A_9, %dma_wait3A_90] : memref<8192x4x1024xf32, #tpu.memory_space<hbm>> -> memref<8x1x1024xf32, #tpu.memory_space<hbm>>
    %dma_wait3A_92 = tpu.memref_squeeze %dma_wait3A_91 : memref<8x1x1024xf32, #tpu.memory_space<hbm>> -> memref<8x1024xf32, #tpu.memory_space<hbm>>
    tpu.wait_dma2 semaphore(%arg18 : memref<!tpu.dma_semaphore, #tpu.memory_space<semaphore_mem>>) src(%arg16 : memref<8x1024xf32, #tpu.memory_space<vmem>>) dst(%dma_wait3A_92 : memref<8x1024xf32, #tpu.memory_space<hbm>>)
    %add3A_93 = arith.constant 1008 : i32
    %add3A_94 = arith.addi %mul3A_32, %add3A_93 : i32
    %dma_wait3A_95 = arith.constant 0 : i32
    %dma_wait3A_96 = tpu.memref_slice %arg6[%add3A_94, %select_n3A_9, %dma_wait3A_95] : memref<8192x4x1024xf32, #tpu.memory_space<hbm>> -> memref<8x1x1024xf32, #tpu.memory_space<hbm>>
    %dma_wait3A_97 = tpu.memref_squeeze %dma_wait3A_96 : memref<8x1x1024xf32, #tpu.memory_space<hbm>> -> memref<8x1024xf32, #tpu.memory_space<hbm>>
    %dma_wait3A_98 = arith.constant 0 : i32
    %dma_wait3A_99 = tpu.memref_slice %arg6[%add3A_94, %select_n3A_9, %dma_wait3A_98] : memref<8192x4x1024xf32, #tpu.memory_space<hbm>> -> memref<8x1x1024xf32, #tpu.memory_space<hbm>>
    %dma_wait3A_100 = tpu.memref_squeeze %dma_wait3A_99 : memref<8x1x1024xf32, #tpu.memory_space<hbm>> -> memref<8x1024xf32, #tpu.memory_space<hbm>>
    tpu.wait_dma2 semaphore(%arg23 : memref<!tpu.dma_semaphore, #tpu.memory_space<semaphore_mem>>) src(%arg21 : memref<8x1024xf32, #tpu.memory_space<vmem>>) dst(%dma_wait3A_100 : memref<8x1024xf32, #tpu.memory_space<hbm>>)
    %add3A_101 = arith.constant 1016 : i32
    %add3A_102 = arith.addi %mul3A_32, %add3A_101 : i32
    %dma_wait3A_103 = arith.constant 0 : i32
    %dma_wait3A_104 = tpu.memref_slice %arg6[%add3A_102, %select_n3A_9, %dma_wait3A_103] : memref<8192x4x1024xf32, #tpu.memory_space<hbm>> -> memref<8x1x1024xf32, #tpu.memory_space<hbm>>
    %dma_wait3A_105 = tpu.memref_squeeze %dma_wait3A_104 : memref<8x1x1024xf32, #tpu.memory_space<hbm>> -> memref<8x1024xf32, #tpu.memory_space<hbm>>
    %dma_wait3A_106 = arith.constant 0 : i32
    %dma_wait3A_107 = tpu.memref_slice %arg6[%add3A_102, %select_n3A_9, %dma_wait3A_106] : memref<8192x4x1024xf32, #tpu.memory_space<hbm>> -> memref<8x1x1024xf32, #tpu.memory_space<hbm>>
    %dma_wait3A_108 = tpu.memref_squeeze %dma_wait3A_107 : memref<8x1x1024xf32, #tpu.memory_space<hbm>> -> memref<8x1024xf32, #tpu.memory_space<hbm>>
    tpu.wait_dma2 semaphore(%arg28 : memref<!tpu.dma_semaphore, #tpu.memory_space<semaphore_mem>>) src(%arg26 : memref<8x1024xf32, #tpu.memory_space<vmem>>) dst(%dma_wait3A_108 : memref<8x1024xf32, #tpu.memory_space<hbm>>)
    return
  }
}

</mosaic_0001>

<sc_bundles>
// kernel: kernel.3.cloned.1.call-start
scs
__scs_entry_jumppad:
0x0: {  	(pc) =	sbr.rel $0x88, $3  }
0x1: {  	(tag) =	ssettag $0x0;
	lr =	simm.s32 $0x1  }
0x2: {  	[smem:$0x3F9D] =	sst lr;
	_ =	strace $0xD0000000  }
0x3: {  	_ = 	snop  }
0x4: {  	_ = 	snop  }
0x5: {  	_ = 	snop  }
0x6: {  	_ = 	snop  }
0x7: {  	_ = 	snop  }
__scs_overlays_trampoline_lowered:
0x8: {  	[smem:$0x3FAC] =	sst s0  }
0x9: {  	[smem:$0x3FAD] =	sst s1  }
0xa: {  	[smem:$0x3FAE] =	sst s2  }
0xb: {  	[smem:$0x3FAF] =	sst s3  }
0xc: {  	[smem:$0x3FB0] =	sst s4  }
0xd: {  	[smem:$0x3FB1] =	sst s5  }
0xe: {  	[smem:$0x3FB2] =	sst s6  }
0xf: {  	[smem:$0x3FB3] =	sst s7  }
0x10: {  	[smem:$0x3FB4] =	sst s8  }
0x11: {  	[smem:$0x3FB5] =	sst s9;
	s0 =	simm.s32 @!p0 $0x0  }
0x12: {  	s1 =	sld [smem:$0x3F9B];
	s0 =	simm.s32 @p0 $0x1  }
0x13: {  	[smem:$0x3FB6] =	sst s0;
	s0 =	simm.s32 @!p1 $0x0  }
0x14: {  	s2 =	sld [smem:$0x3F9A];
	s0 =	simm.s32 @p1 $0x1  }
0x15: {  	[smem:$0x3FB7] =	sst s0;
	s0 =	simm.s32 @!p2 $0x0  }
0x16: {  	s3 =	sld [smem:$0x3FDB];
	s0 =	simm.s32 @p2 $0x1  }
0x17: {  	s4 =	simm.s32 $0x1BF5;
	[smem:$0x3FB9] =	sst s0  }
0x18: {  	s0 =	sld [smem:$0x3F9C];
	_ =	swait.ge [sflag:s4], $0x0  }
0x19: {  	s7 =	sld [smem:$0x3F9D]  }
0x1a: {  	s8 =	sadd.s32 $0xFFFFE003, lr  }
0x1b: {  	s9 =	sadd.s32 $0xFFFFFEF7, lr;
	s5 =	simm.s32 $0xFFFFFFFF;
	p2 =	slt.u32 s8, $0xFFFFF086  }
0x1c: {  	p1 =	slt.u32 s9, $0xF7A;
	s5 =	simm.s32 @!p2 $0x0  }
0x1d: {  	s5 =	simm.s32 @p1 $0x1;
	p0 =	seq.s32 s7, s2  }
0x1e: {  	s7 =	smul.u32 @!p0 $0xF7A, s2;
	p2 =	seq.s32 @!p0 s5, $0x0  }
0x1f: {  	s9 =	smul.u32 $0xF7A, s1;
	s8 =	simm.s32 @!p0 $0x1BF5;
	p2 =	por !p2, p0  }
0x20: {  	[sflag:s8] =	ssyncset.s32 @!p0 $0xFFFFF086;
	s6 =	sadd.s32 @!p0 s3, s7;
	s7 =	simm.s32 @!p0 $0x108  }
0x21: {  	s3 =	sadd.s32 s3, s9;
	s6 =	sadd.s32 @!p0 $0x88, s6;
	s7 =	simm.s32 @p2 $0x1082  }
0x22: {  	[simem:s7], [sflag:s8] =	dma.local @!p0 [hbm:s6], $0xF7A  }
0x23: {  	s9 =	sor.u32 $0xD0000000, s2;
	s6 =	simm.s32 $0x108;
	_ =	swait.ge @!p0 [sflag:s8], $0x0  }
0x24: {  	s3 =	sadd.s32 $0x88, s3;
	s6 =	simm.s32 @!p1 $0x1082;
	[sflag:s4] =	ssyncset.s32 $0xFFFFF086  }
0x25: {  	[simem:s6], [sflag:s4] =	dma.local [hbm:s3], $0xF7A  }
0x26: {  	[smem:$0x3F9D] =	sst s1;
	(tag) =	ssettag s2;
	_ =	strace s9  }
0x27: {  	s1 =	sld [smem:$0x3FAD]  }
0x28: {  	s2 =	sld [smem:$0x3FAE]  }
0x29: {  	s4 =	sld [smem:$0x3FB0]  }
0x2a: {  	p0 =	seq.s32 s5, $0x0;
	s5 =	sld [smem:$0x3FB1]  }
0x2b: {  	s6 =	sld [smem:$0x3FB2]  }
0x2c: {  	s7 =	sld [smem:$0x3FB3]  }
0x2d: {  	s3 =	simm.s32 $0x108;
	s8 =	sld [smem:$0x3FB4]  }
0x2e: {  	s3 =	simm.s32 @!p0 $0x1082;
	s9 =	sld [smem:$0x3FB5]  }
0x2f: {  	lr =	sadd.s32 s0, s3;
	s0 =	sld [smem:$0x3FAC]  }
0x30: {  	s3 =	sld [smem:$0x3FAF]  }
0x31: {  	[smem:$0x3FB8] =	sst s10  }
0x32: {  	s10 =	sld [smem:$0x3FB6];
	_ =	sdelay $0x3  }
0x33: {  	p0 =	seq.s32 s10, $0x1;
	s10 =	sld [smem:$0x3FB8];
	_ =	sdelay $0x3  }
0x34: {  	[smem:$0x3FB8] =	sst s10  }
0x35: {  	s10 =	sld [smem:$0x3FB7];
	_ =	sdelay $0x3  }
0x36: {  	p1 =	seq.s32 s10, $0x1;
	s10 =	sld [smem:$0x3FB8];
	_ =	sdelay $0x3  }
0x37: {  	[smem:$0x3FB8] =	sst s10  }
0x38: {  	s10 =	sld [smem:$0x3FB9]  }
0x39: {  	_ = 	snop;
	(pc) =	sbr.ind lr, $3  }
0x3a: {  	_ = 	snop  }
0x3b: {  	_ = 	snop  }
0x3c: {  	p2 =	seq.s32 s10, $0x1;
	s10 =	sld [smem:$0x3FB8]  }
0x3d: {  	_ =	shalt  }
0x3e: {  	_ =	shalt  }
0x3f: {  	_ =	shalt  }
0x40: {  	_ =	shalt  }
0x41: {  	_ =	shalt  }
0x42: {  	_ =	shalt  }
0x43: {  	_ =	shalt  }
0x44: {  	_ =	shalt  }
0x45: {  	_ =	shalt  }
0x46: {  	_ =	shalt  }
0x47: {  	_ =	shalt  }
0x48: {  	_ =	shalt  }
0x49: {  	_ =	shalt  }
0x4a: {  	_ =	shalt  }
0x4b: {  	_ =	shalt  }
0x4c: {  	_ =	shalt  }
0x4d: {  	_ =	shalt  }
0x4e: {  	_ =	shalt  }
0x4f: {  	_ =	shalt  }
0x50: {  	_ =	shalt  }
0x51: {  	_ =	shalt  }
0x52: {  	_ =	shalt  }
0x53: {  	_ =	shalt  }
0x54: {  	_ =	shalt  }
0x55: {  	_ =	shalt  }
0x56: {  	_ =	shalt  }
0x57: {  	_ =	shalt  }
0x58: {  	_ =	shalt  }
0x59: {  	_ =	shalt  }
0x5a: {  	_ =	shalt  }
0x5b: {  	_ =	shalt  }
0x5c: {  	_ =	shalt  }
0x5d: {  	_ =	shalt  }
0x5e: {  	_ =	shalt  }
0x5f: {  	_ =	shalt  }
0x60: {  	_ =	shalt  }
0x61: {  	_ =	shalt  }
0x62: {  	_ =	shalt  }
0x63: {  	_ =	shalt  }
0x64: {  	_ =	shalt  }
0x65: {  	_ =	shalt  }
0x66: {  	_ =	shalt  }
0x67: {  	_ =	shalt  }
0x68: {  	_ =	shalt  }
0x69: {  	_ =	shalt  }
0x6a: {  	_ =	shalt  }
0x6b: {  	_ =	shalt  }
0x6c: {  	_ =	shalt  }
0x6d: {  	_ =	shalt  }
0x6e: {  	_ =	shalt  }
0x6f: {  	_ =	shalt  }
0x70: {  	_ =	shalt  }
0x71: {  	_ =	shalt  }
0x72: {  	_ =	shalt  }
0x73: {  	_ =	shalt  }
0x74: {  	_ =	shalt  }
0x75: {  	_ =	shalt  }
0x76: {  	_ =	shalt  }
0x77: {  	_ =	shalt  }
0x78: {  	_ =	shalt  }
0x79: {  	_ =	shalt  }
0x7a: {  	_ =	shalt  }
0x7b: {  	_ =	shalt  }
0x7c: {  	_ =	shalt  }
0x7d: {  	_ =	shalt  }
0x7e: {  	_ =	shalt  }
0x7f: {  	_ =	shalt  }
0x80: {  	_ =	shalt  }
0x81: {  	_ =	shalt  }
0x82: {  	_ =	shalt  }
0x83: {  	_ =	shalt  }
0x84: {  	_ =	shalt  }
0x85: {  	_ =	shalt  }
0x86: {  	_ =	shalt  }
0x87: {  	_ =	shalt  }
.Lfunc_end0:
.L_simem_size_0:
called_computation_lowered:
.L_overlay_start_0:
0x88: {  	s2 =	sld [smem:$0x3FD9]  }
0x89: {  	s3 =	sld [smem:$0x3FFE];
	_ =	sdelay $0x1  }
0x8a: {  	s1 =	srdreg.scid  }
0x8b: {  	s0 =	sand.u32 $0x1, s1  }
0x8c: {  	s18 =	sshll.u32 s0, $0xA;
	s2 =	sadd.s32 s3, s2  }
0x8d: {  	s2 =	sadd.s32 s2, s18  }
0x8e: {  	[smem:$0x3FC4] =	sst s2  }
0x8f: {  	_ = 	snop  }
0x90: {  	s2 =	sld [smem:$0x3FC9]  }
0x91: {  	s19 =	sld [smem:$0x3FC8]  }
0x92: {  	s4 =	sld [smem:$0x3FC7]  }
0x93: {  	s5 =	sld [smem:$0x3FC6]  }
0x94: {  	s6 =	sld [smem:$0x3FD0];
	(tm) =	ssettm $0x1  }
0x95: {  	s7 =	sld [smem:$0x3FFB];
	_ =	sdelay $0x3  }
0x96: {  	_ =	strace s7  }
0x97: {  	s7 =	sld [smem:$0x3FFC];
	_ =	sdelay $0x3  }
0x98: {  	_ =	strace s7  }
0x99: {  	s7 =	sld [smem:$0x3FFD];
	_ =	sdelay $0x3  }
0x9a: {  	_ =	strace s7  }
0x9b: {  	_ =	strace $0x8FFFFFFF  }
0x9c: {  	s20 =	sld [smem:$0x3FDB];
	_ =	sdelay $0x1  }
0x9d: {  	s8 =	simm.s32 $_scs_section_size  }
0x9e: {  	s9 =	simm.s32 $_size__tile_overlayer_lowered;
	s10 =	simm.s32 $_tile_overlayer_lowered  }
0x9f: {  	s23 =	simm.s32 $0x1BFF;
	s22 =	sshll.u32 s10, $0x1;
	s7 =	sadd.s32 s8, s20  }
0xa0: {  	s11 =	simm.s32 $0x0;
	s21 =	sshll.u32 s9, $0x1;
	s9 =	sadd.s32 s22, s7  }
0xa1: {  	[timem:s11], [sflag:s23] =	dma.local [hbm:s9], s21  }
0xa2: {  	_ =	swait.ge [sflag:s23], s21  }
0xa3: {  	s8 =	ssub.s32 $0x0, s21;
	[sflag:s23] =	ssyncset.done $0x0  }
0xa4: {  	[sflag:s23] =	ssyncadd.s32 s8;
	_ =	sdelay $0x1  }
0xa5: {  	s24 =	simm.s32 $0x1B8B  }
0xa6: {  	_ =	swait.ge [sflag:s24], $0x1  }
0xa7: {  	[sflag:s24] =	ssyncset.done $0x0  }
0xa8: {  	s25 =	simm.s32 $0x1B8E;
	[sflag:s24] =	ssyncadd.s32 $0xFFFFFFFF  }
0xa9: {  	s26 =	simm.s32 $execute0_lowered;
	[smem:$0x3FD2] =	sst s25  }
0xaa: {  	s8 =	sshll.u32 s26, $0x1;
	_ =	strace $0x80000046;
	[dreg:$0x1] =	wrdreg $0xFFFFFFFF  }
0xab: {  	s28 =	simm.s32 $_size_execute0_lowered;
	s7 =	sadd.s32 s7, s8;
	[dreg:$0x0] =	wrdreg $0x0  }
0xac: {  	s8 =	sshll.u32 s28, $0x1;
	[dreg:$0x2] =	wrdreg s7  }
0xad: {  	[dreg:$0x3] =	wrdreg s8  }
0xae: {  	[dreg:$0x4] =	wrdreg $0xC0  }
0xaf: {  	_ =	task [dreg:s11], $0x5FFFF  }
0xb0: {  	[dreg:$0x1] =	wrdreg $0xFFFFFFFF  }
0xb1: {  	[dreg:$0x0] =	wrdreg $0x60  }
0xb2: {  	[dreg:$0x2] =	wrdreg s4  }
0xb3: {  	[dreg:$0x3] =	wrdreg s5  }
0xb4: {  	[dreg:$0x4] =	wrdreg s2  }
0xb5: {  	[dreg:$0x5] =	wrdreg s19  }
0xb6: {  	[dreg:$0x6] =	wrdreg s6  }
0xb7: {  	[dreg:$0x7] =	wrdreg $0x9  }
0xb8: {  	_ =	task.clear_ibuf [dreg:s11], $0x8FFFF;
	_ =	strace $0x90000046  }
0xb9: {  	s29 =	simm.s32 $0x9;
	_ =	strace $0x80000048  }
0xba: {  	_ =	swait.ge [sflag:s29], $0x1  }
0xbb: {  	[sflag:s29] =	ssyncadd.s32 $0xFFFFFFFF  }
0xbc: {  	_ =	strace $0x90000048  }
0xbd: {  	_ =	sfence  }
0xbe: {  	s30 =	sld [smem:$0x0];
	_ =	sdelay $0x2  }
0xbf: {  	s31 =	sshll.u32 s1, $0xD;
	s1 =	sshrl.u32 s1, $0x2  }
0xc0: {  	s3 =	sand.u32 $0x4000, s31;
	s1 =	sadd.s32 s1, s30  }
0xc1: {  	s0 =	sor.u32 s3, s0;
	s1 =	sshll.u32 s1, $0x11  }
0xc2: {  	s0 =	sor.u32 s1, s0  }
0xc3: {  	s0 =	sadd.s32 $0x8F2B, s0  }
0xc4: {  	[sflag:s0] =	ssyncadd.remote.s32 $0x1  }
0xc5: {  	_ =	sfence.sel $0xFFFF  }
0xc6: {  	[dreg:$0x0] =	wrdreg $0xFFFFFFFF;
	(pc) =	sbr.abs _section_cstart, $3  }
0xc7: {  	[dreg:$0x1] =	wrdreg $0xFFFFFFFF  }
0xc8: {  	_ =	task.clear_ibuf [dreg:s11], $0x2FFFF;
	_ =	strace $0x9FFFFFFF  }
0xc9: {  	(tm) =	ssettm $0x7FFFFFFF  }
tec
execute0_lowered:
.L_overlay_start_1:
0x0: {  	(tag) =	ssettag $0x1  }
0x1: {  	s1 =	rddreg [dreg:$0x0]  }
0x2: {  	s2 =	rddreg [dreg:$0x1]  }
0x3: {  	s0 =	rddreg [dreg:$0x2]  }
0x4: {  	s3 =	rddreg [dreg:$0x3];
	s7 =	stileid.u32  }
0x5: {  	s4 =	rddreg [dreg:$0x4];
	s5 =	srdreg.scid  }
0x6: {  	s9 =	simm.s32 $0x0;
	s19 =	simm.s32 $0x80;
	s29 =	simm.s32 $0x5  }
0x7: {  	s18 =	simm.s32 $0x7;
	s6 =	sshll.u32 s7, $0x1;
	s5 =	sand.u32 $0x1, s5  }
0x8: {  	s8 =	sshrl.u32 s7, $0x1;
	[smem:$0x7FF] =	sst s9;
	s10 =	sadd.s32 $0x100, s1  }
0x9: {  	s11 =	sadd.s32 $0x200, s1;
	s12 =	sadd.s32 $0x300, s1;
	s13 =	sadd.s32 $0x100, s2  }
0xa: {  	s14 =	sadd.s32 $0x200, s2;
	s15 =	sadd.s32 $0x300, s2;
	s30 =	sadd.s32 $0x2000, s4  }
0xb: {  	s6 =	sand.u32 $0x2, s6;
	s7 =	sshll.u32 s8, $0xC;
	_ =	strace $0x80000047  }
0xc: {  	s25 =	sshll.u32 s8, $0xA;
	s6 =	sor.u32 s5, s6;
	s5 =	ssub.s32 $0x2, s5  }
0xd: {  	s28 =	sshll.u32 s8, $0x16;
	s6 =	sshll.u32 s6, $0x7;
	s23 =	sshrl.u32 s5, $0x1  }
0xe: {  	[dreg:$0xa] =	wrdreg s30;
	s7 =	sor.u32 s7, s6;
	s5 =	ssub.s32 s5, s23  }
0xf: {  	[dreg:$0x6] =	wrdreg s25;
	s24 =	sshrl.u32 s7, $0x3;
	s31 =	smax.u32 s5, $0x1  }
0x10: {  	s25 =	simm.s32 $0x1;
	s0 =	sadd.s32 s0, s24;
	[dreg:$0xb] =	wrdreg s31  }
0x11: {  	v0 =	vlaneseq.u32;
	s17 =	smov.u32 s6;
	s26 =	sadd.s32 s3, s24;
	[dreg:$0x7] =	wrdreg s0  }
0x12: {  	v1 =	vshrl.u32 v0, $0x3;
	s23 =	simm.s32 $0x3;
	[dreg:$0x8] =	wrdreg s26;
	s0 =	sor.u32 s6, s28  }
0x13: {  	vm0 =	vmmov $0xffff;
	v0 =	vand.u32 $0x7, v0;
	v1 =	vmul.u32 $0x8, v1;
	s5 =	simm.s32 $0x0;
	s24 =	simm.s32 $0x1000;
	[dreg:$0x9] =	wrdreg s0  }
.LBB2_1:
0x14: {  	[dreg:$0xc] =	wrdreg s5;
	s0 =	simm.s32 $0x0  }
0x15: {  	s3 =	rddreg [dreg:$0x7];
	s20 =	simm.s32 $0x200;
	s6 =	simm.s32 $0x9  }
0x16: {  	[tilespmem:s0], [sflag:$0x9] =	stream.strided.gather [hbm4b:s3+s19], $0x400, s20, s19, $0x38;
	[tilespmem:$0x18800] =	vst v63  }
0x17: {  	_ =	swait.ge [sflag:s6], $0x400  }
0x18: {  	[sflag:s6] =	ssyncset.done $0x0  }
0x19: {  	s7 =	simm.s32 $0x400;
	s21 =	rddreg [dreg:$0x8];
	[sflag:s6] =	ssyncadd.s32 $0xFFFFFC00  }
0x1a: {  	[tilespmem:s7], [sflag:$0x9] =	stream.strided.gather [hbm4b:s21+s19], $0x400, s20, s19, $0x38;
	[tilespmem:$0x18800] =	vst v63  }
0x1b: {  	_ =	swait.ge [sflag:s6], $0x400  }
0x1c: {  	[sflag:s6] =	ssyncset.done $0x0  }
0x1d: {  	[sflag:s6] =	ssyncadd.s32 $0xFFFFFC00  }
0x1e: {  	v2 =	vld.msk [tilespmem:$0x0], $0xff;
	_ =	sdelay $0x4  }
0x1f: {  	v3 =	vshll.u32 v2, $0x3  }
0x20: {  	v2 =	vand.u32 $0x7, v2;
	v3 =	vand.u32 $0xFFFFFFC0, v3  }
0x21: {  	v2 =	vor.u32 v2, v3  }
0x22: {  	v2 =	vperm.xlane v2, v0;
	_ =	sdelay $0x1  }
0x23: {  	v2 =	vadd.s32 v1, v2;
	_ =	sdelay $0x3  }
0x24: {  	s22 =	simm.s32 $0x800  }
0x25: {  	[tilespmem:s22], [sflag:$0x1] =	stream.indirect_vreg.gather [hbm4b:s1+s0], $0x80, v2, vm0, $0xb8;
	[tilespmem:$0x18800] =	vst v63  }
0x26: {  	_ = 	snop  }
0x27: {  	[tilespmem:s24], [sflag:$0x1] =	stream.indirect_vreg.gather [hbm4b:s10+s0], $0x80, v2, vm0, $0xb8;
	[tilespmem:$0x18800] =	vst v63  }
0x28: {  	s26 =	simm.s32 $0x1800  }
0x29: {  	[tilespmem:s26], [sflag:$0x1] =	stream.indirect_vreg.gather [hbm4b:s11+s0], $0x80, v2, vm0, $0xb8;
	[tilespmem:$0x18800] =	vst v63  }
0x2a: {  	s28 =	simm.s32 $0x2000  }
0x2b: {  	[tilespmem:s28], [sflag:$0x1] =	stream.indirect_vreg.gather [hbm4b:s12+s0], $0x80, v2, vm0, $0xb8;
	[tilespmem:$0x18800] =	vst v63  }
0x2c: {  	v2 =	vld.msk [tilespmem:$0x400], $0xff;
	_ =	sdelay $0x4  }
0x2d: {  	v3 =	vshll.u32 v2, $0x3  }
0x2e: {  	v2 =	vand.u32 $0x7, v2;
	v3 =	vand.u32 $0xFFFFFFC0, v3  }
0x2f: {  	v2 =	vor.u32 v2, v3  }
0x30: {  	v2 =	vperm.xlane v2, v0;
	_ =	sdelay $0x1  }
0x31: {  	v2 =	vadd.s32 v1, v2;
	_ =	sdelay $0x3  }
0x32: {  	s30 =	simm.s32 $0x2800  }
0x33: {  	[tilespmem:s30], [sflag:$0x1] =	stream.indirect_vreg.gather [hbm4b:s2+s0], $0x80, v2, vm0, $0xb8;
	[tilespmem:$0x18800] =	vst v63  }
0x34: {  	s31 =	simm.s32 $0x3000  }
0x35: {  	[tilespmem:s31], [sflag:$0x1] =	stream.indirect_vreg.gather [hbm4b:s13+s0], $0x80, v2, vm0, $0xb8;
	[tilespmem:$0x18800] =	vst v63  }
0x36: {  	s5 =	simm.s32 $0x3800  }
0x37: {  	[tilespmem:s5], [sflag:$0x1] =	stream.indirect_vreg.gather [hbm4b:s14+s0], $0x80, v2, vm0, $0xb8;
	[tilespmem:$0x18800] =	vst v63  }
0x38: {  	s6 =	simm.s32 $0x4000  }
0x39: {  	[tilespmem:s6], [sflag:$0x1] =	stream.indirect_vreg.gather [hbm4b:s15+s0], $0x80, v2, vm0, $0xb8;
	[tilespmem:$0x18800] =	vst v63  }
0x3a: {  	v2 =	vld.msk [tilespmem:$0x8], $0xff;
	_ =	sdelay $0x4  }
0x3b: {  	v3 =	vshll.u32 v2, $0x3  }
0x3c: {  	v2 =	vand.u32 $0x7, v2;
	v3 =	vand.u32 $0xFFFFFFC0, v3  }
0x3d: {  	v2 =	vor.u32 v2, v3  }
0x3e: {  	v2 =	vperm.xlane v2, v0;
	_ =	sdelay $0x1  }
0x3f: {  	v2 =	vadd.s32 v1, v2;
	_ =	sdelay $0x3  }
0x40: {  	s7 =	simm.s32 $0x6800  }
0x41: {  	[tilespmem:s7], [sflag:$0x3] =	stream.indirect_vreg.gather [hbm4b:s1+s0], $0x80, v2, vm0, $0xb8;
	[tilespmem:$0x18800] =	vst v63  }
0x42: {  	s8 =	simm.s32 $0x7000  }
0x43: {  	[tilespmem:s8], [sflag:$0x3] =	stream.indirect_vreg.gather [hbm4b:s10+s0], $0x80, v2, vm0, $0xb8;
	[tilespmem:$0x18800] =	vst v63  }
0x44: {  	s9 =	simm.s32 $0x7800  }
0x45: {  	[tilespmem:s9], [sflag:$0x3] =	stream.indirect_vreg.gather [hbm4b:s11+s0], $0x80, v2, vm0, $0xb8;
	[tilespmem:$0x18800] =	vst v63  }
0x46: {  	s16 =	simm.s32 $0x8000  }
0x47: {  	[tilespmem:s16], [sflag:$0x3] =	stream.indirect_vreg.gather [hbm4b:s12+s0], $0x80, v2, vm0, $0xb8;
	[tilespmem:$0x18800] =	vst v63  }
0x48: {  	v2 =	vld.msk [tilespmem:$0x408], $0xff;
	_ =	sdelay $0x4  }
0x49: {  	v3 =	vshll.u32 v2, $0x3  }
0x4a: {  	v2 =	vand.u32 $0x7, v2;
	v3 =	vand.u32 $0xFFFFFFC0, v3  }
0x4b: {  	v2 =	vor.u32 v2, v3  }
0x4c: {  	v2 =	vperm.xlane v2, v0;
	_ =	sdelay $0x1  }
0x4d: {  	v2 =	vadd.s32 v1, v2;
	_ =	sdelay $0x3  }
0x4e: {  	s20 =	simm.s32 $0x8800  }
0x4f: {  	[tilespmem:s20], [sflag:$0x3] =	stream.indirect_vreg.gather [hbm4b:s2+s0], $0x80, v2, vm0, $0xb8;
	[tilespmem:$0x18800] =	vst v63  }
0x50: {  	s21 =	simm.s32 $0x9000  }
0x51: {  	[tilespmem:s21], [sflag:$0x3] =	stream.indirect_vreg.gather [hbm4b:s13+s0], $0x80, v2, vm0, $0xb8;
	[tilespmem:$0x18800] =	vst v63  }
0x52: {  	s22 =	simm.s32 $0x9800  }
0x53: {  	[tilespmem:s22], [sflag:$0x3] =	stream.indirect_vreg.gather [hbm4b:s14+s0], $0x80, v2, vm0, $0xb8;
	[tilespmem:$0x18800] =	vst v63  }
0x54: {  	s26 =	simm.s32 $0xA000  }
0x55: {  	[tilespmem:s26], [sflag:$0x3] =	stream.indirect_vreg.gather [hbm4b:s15+s0], $0x80, v2, vm0, $0xb8;
	[tilespmem:$0x18800] =	vst v63  }
0x56: {  	v2 =	vld.msk [tilespmem:$0x10], $0xff;
	_ =	sdelay $0x4  }
0x57: {  	v3 =	vshll.u32 v2, $0x3  }
0x58: {  	v2 =	vand.u32 $0x7, v2;
	v3 =	vand.u32 $0xFFFFFFC0, v3  }
0x59: {  	v2 =	vor.u32 v2, v3  }
0x5a: {  	v2 =	vperm.xlane v2, v0;
	_ =	sdelay $0x1  }
0x5b: {  	v2 =	vadd.s32 v1, v2;
	_ =	sdelay $0x3  }
0x5c: {  	s28 =	simm.s32 $0xC800  }
0x5d: {  	[tilespmem:s28], [sflag:$0x5] =	stream.indirect_vreg.gather [hbm4b:s1+s0], $0x80, v2, vm0, $0xb8;
	[tilespmem:$0x18800] =	vst v63  }
0x5e: {  	s30 =	simm.s32 $0xD000  }
0x5f: {  	[tilespmem:s30], [sflag:$0x5] =	stream.indirect_vreg.gather [hbm4b:s10+s0], $0x80, v2, vm0, $0xb8;
	[tilespmem:$0x18800] =	vst v63  }
0x60: {  	s31 =	simm.s32 $0xD800  }
0x61: {  	[tilespmem:s31], [sflag:$0x5] =	stream.indirect_vreg.gather [hbm4b:s11+s0], $0x80, v2, vm0, $0xb8;
	[tilespmem:$0x18800] =	vst v63  }
0x62: {  	s5 =	simm.s32 $0xE000  }
0x63: {  	[tilespmem:s5], [sflag:$0x5] =	stream.indirect_vreg.gather [hbm4b:s12+s0], $0x80, v2, vm0, $0xb8;
	[tilespmem:$0x18800] =	vst v63  }
0x64: {  	v2 =	vld.msk [tilespmem:$0x410], $0xff;
	_ =	sdelay $0x4  }
0x65: {  	v3 =	vshll.u32 v2, $0x3  }
0x66: {  	v2 =	vand.u32 $0x7, v2;
	v3 =	vand.u32 $0xFFFFFFC0, v3  }
0x67: {  	v2 =	vor.u32 v2, v3  }
0x68: {  	v2 =	vperm.xlane v2, v0;
	_ =	sdelay $0x1  }
0x69: {  	v2 =	vadd.s32 v1, v2;
	_ =	sdelay $0x3  }
0x6a: {  	s6 =	simm.s32 $0xE800  }
0x6b: {  	[tilespmem:s6], [sflag:$0x5] =	stream.indirect_vreg.gather [hbm4b:s2+s0], $0x80, v2, vm0, $0xb8;
	[tilespmem:$0x18800] =	vst v63  }
0x6c: {  	s7 =	simm.s32 $0xF000  }
0x6d: {  	[tilespmem:s7], [sflag:$0x5] =	stream.indirect_vreg.gather [hbm4b:s13+s0], $0x80, v2, vm0, $0xb8;
	[tilespmem:$0x18800] =	vst v63  }
0x6e: {  	s8 =	simm.s32 $0xF800  }
0x6f: {  	[tilespmem:s8], [sflag:$0x5] =	stream.indirect_vreg.gather [hbm4b:s14+s0], $0x80, v2, vm0, $0xb8;
	[tilespmem:$0x18800] =	vst v63  }
0x70: {  	s9 =	simm.s32 $0x10000  }
0x71: {  	[tilespmem:s9], [sflag:$0x5] =	stream.indirect_vreg.gather [hbm4b:s15+s0], $0x80, v2, vm0, $0xb8;
	[tilespmem:$0x18800] =	vst v63  }
0x72: {  	v2 =	vld.msk [tilespmem:$0x18], $0xff;
	_ =	sdelay $0x4  }
0x73: {  	v3 =	vshll.u32 v2, $0x3  }
0x74: {  	v2 =	vand.u32 $0x7, v2;
	v3 =	vand.u32 $0xFFFFFFC0, v3  }
0x75: {  	v2 =	vor.u32 v2, v3  }
0x76: {  	v2 =	vperm.xlane v2, v0;
	_ =	sdelay $0x1  }
0x77: {  	v2 =	vadd.s32 v1, v2;
	_ =	sdelay $0x3  }
0x78: {  	s16 =	simm.s32 $0x12800  }
0x79: {  	[tilespmem:s16], [sflag:$0x7] =	stream.indirect_vreg.gather [hbm4b:s1+s0], $0x80, v2, vm0, $0xb8;
	[tilespmem:$0x18800] =	vst v63  }
0x7a: {  	s20 =	simm.s32 $0x13000  }
0x7b: {  	[tilespmem:s20], [sflag:$0x7] =	stream.indirect_vreg.gather [hbm4b:s10+s0], $0x80, v2, vm0, $0xb8;
	[tilespmem:$0x18800] =	vst v63  }
0x7c: {  	s21 =	simm.s32 $0x13800  }
0x7d: {  	[tilespmem:s21], [sflag:$0x7] =	stream.indirect_vreg.gather [hbm4b:s11+s0], $0x80, v2, vm0, $0xb8;
	[tilespmem:$0x18800] =	vst v63  }
0x7e: {  	s22 =	simm.s32 $0x14000  }
0x7f: {  	[tilespmem:s22], [sflag:$0x7] =	stream.indirect_vreg.gather [hbm4b:s12+s0], $0x80, v2, vm0, $0xb8;
	[tilespmem:$0x18800] =	vst v63  }
0x80: {  	v2 =	vld.msk [tilespmem:$0x418], $0xff;
	_ =	sdelay $0x4  }
0x81: {  	v3 =	vshll.u32 v2, $0x3  }
0x82: {  	v2 =	vand.u32 $0x7, v2;
	v3 =	vand.u32 $0xFFFFFFC0, v3  }
0x83: {  	v2 =	vor.u32 v2, v3  }
0x84: {  	v2 =	vperm.xlane v2, v0;
	_ =	sdelay $0x1  }
0x85: {  	v2 =	vadd.s32 v1, v2;
	_ =	sdelay $0x3  }
0x86: {  	s26 =	simm.s32 $0x14800  }
0x87: {  	[tilespmem:s26], [sflag:$0x7] =	stream.indirect_vreg.gather [hbm4b:s2+s0], $0x80, v2, vm0, $0xb8;
	[tilespmem:$0x18800] =	vst v63  }
0x88: {  	s28 =	simm.s32 $0x15000  }
0x89: {  	[tilespmem:s28], [sflag:$0x7] =	stream.indirect_vreg.gather [hbm4b:s13+s0], $0x80, v2, vm0, $0xb8;
	[tilespmem:$0x18800] =	vst v63  }
0x8a: {  	s30 =	simm.s32 $0x15800  }
0x8b: {  	[tilespmem:s30], [sflag:$0x7] =	stream.indirect_vreg.gather [hbm4b:s14+s0], $0x80, v2, vm0, $0xb8;
	[tilespmem:$0x18800] =	vst v63  }
0x8c: {  	s31 =	simm.s32 $0x16000;
	s22 =	simm.s32 $0x0  }
0x8d: {  	[tilespmem:s31], [sflag:$0x7] =	stream.indirect_vreg.gather [hbm4b:s15+s0], $0x80, v2, vm0, $0xb8;
	[tilespmem:$0x18800] =	vst v63  }
.LBB2_2:
0x8e: {  	_ =	swait.ge [sflag:s25], $0x2000  }
0x8f: {  	[sflag:s25] =	ssyncset.done $0x0  }
0x90: {  	[sflag:s25] =	ssyncadd.s32 $0xFFFFE000  }
0x91: {  	_ =	swait.ge [sflag:s25], $0x2000  }
0x92: {  	p1 =	seq.s32 s22, $0x0;
	s8 =	simm.s32 $0x0;
	[sflag:s25] =	ssyncset.done $0x0  }
0x93: {  	s5 =	simm.s32 @!p1 $0x2;
	s9 =	sand.u32 $0x3, s8;
	[sflag:s25] =	ssyncadd.s32 $0xFFFFE000  }
0x94: {  	s9 =	sshll.u32 s9, $0xB;
	_ =	swait.ge @!p1 [sflag:s5], $0x2000  }
0x95: {  	s9 =	sadd.s32 $0x0, s9;
	[sflag:s5] =	ssyncset.done @!p1 $0x0  }
0x96: {  	s30 =	sor.u32 $0x470, s9;
	[sflag:s5] =	ssyncadd.s32 @!p1 $0xFFFFE000  }
0x97: {  	v2 =	vld [tilespmem:s30+$0x800]  }
0x98: {  	s20 =	sor.u32 $0x60, s9;
	v3 =	vld [tilespmem:s30+$0x2800]  }
0x99: {  	v4 =	vld [tilespmem:s20+$0x800]  }
0x9a: {  	s21 =	sor.u32 $0x70, s9;
	v5 =	vld [tilespmem:s20+$0x2800]  }
0x9b: {  	v6 =	vld [tilespmem:s21+$0x800]  }
0x9c: {  	s26 =	sor.u32 $0x460, s9;
	v7 =	vld [tilespmem:s21+$0x2800]  }
0x9d: {  	s31 =	sand.u32 $0x1800, s8;
	s28 =	sand.u32 $0x380, s8;
	v8 =	vld [tilespmem:s26+$0x800]  }
0x9e: {  	s9 =	sor.u32 s28, s31;
	v9 =	vld [tilespmem:s26+$0x2800]  }
0x9f: {  	v10 =	vld [tilespmem:s9+$0x800]  }
0xa0: {  	v11 =	vld [tilespmem:s9+$0x2800]  }
0xa1: {  	v12 =	vld [tilespmem:s9+$0x810]  }
0xa2: {  	v13 =	vld [tilespmem:s9+$0x2810]  }
0xa3: {  	v14 =	vld [tilespmem:s9+$0x820]  }
0xa4: {  	v15 =	vld [tilespmem:s9+$0x2820]  }
0xa5: {  	v16 =	vld [tilespmem:s9+$0x830]  }
0xa6: {  	v17 =	vld [tilespmem:s9+$0x2830]  }
0xa7: {  	v2 =	vadd.f32 v3, v2;
	v3 =	vld [tilespmem:s9+$0x840]  }
0xa8: {  	v4 =	vadd.f32 v5, v4;
	v5 =	vld [tilespmem:s9+$0x2840]  }
0xa9: {  	[tilespmem:s30+$0x4800] =	vst v2;
	v2 =	vadd.f32 v7, v6;
	v6 =	vld [tilespmem:s9+$0x850]  }
0xaa: {  	[tilespmem:s20+$0x4800] =	vst v4;
	v4 =	vadd.f32 v9, v8;
	v8 =	vld [tilespmem:s9+$0x2850]  }
0xab: {  	v9 =	vld [tilespmem:s9+$0xC00];
	[tilespmem:s21+$0x4800] =	vst v2;
	v2 =	vadd.f32 v11, v10  }
0xac: {  	v7 =	vadd.f32 v13, v12;
	[tilespmem:s26+$0x4800] =	vst v4;
	v10 =	vld [tilespmem:s9+$0x2C00]  }
0xad: {  	v4 =	vld [tilespmem:s9+$0xC10];
	[tilespmem:s9+$0x4800] =	vst v2;
	v2 =	vadd.f32 v15, v14  }
0xae: {  	[tilespmem:s9+$0x4810] =	vst v7;
	v11 =	vadd.f32 v17, v16;
	v7 =	vld [tilespmem:s9+$0x2C10]  }
0xaf: {  	[tilespmem:s9+$0x4820] =	vst v2;
	v2 =	vadd.f32 v5, v3;
	v3 =	vld [tilespmem:s9+$0xC20]  }
0xb0: {  	[tilespmem:s9+$0x4830] =	vst v11;
	v5 =	vadd.f32 v8, v6;
	v6 =	vld [tilespmem:s9+$0x2C20]  }
0xb1: {  	s5 =	simm.s32 $0x0;
	v8 =	vadd.f32 v10, v9;
	[tilespmem:s9+$0x4840] =	vst v2;
	v2 =	vld [tilespmem:s9+$0xC30]  }
0xb2: {  	s20 =	sshll.u32 s22, $0x5;
	s21 =	simm.s32 $0x800;
	s26 =	simm.s32 $0x1;
	[tilespmem:s9+$0x4850] =	vst v5;
	v5 =	vld [tilespmem:s9+$0x2C30]  }
.LBB2_3:
0xb3: {  	s28 =	sand.u32 $0x3, s26;
	s30 =	sand.u32 $0x1800, s21;
	[tilespmem:s9+$0x4C00] =	vst v8;
	v4 =	vadd.f32 v7, v4;
	v7 =	vld [tilespmem:s9+$0xC40]  }
0xb4: {  	s5 =	sadd.s32 $0x10, s5;
	s8 =	sadd.s32 $0x20, s8;
	s28 =	sshll.u32 s28, $0xB;
	v8 =	vld [tilespmem:s9+$0x2C40]  }
0xb5: {  	s31 =	sand.u32 $0x380, s8;
	p0 =	slt.u32 s5, $0x1F0;
	s28 =	sadd.s32 s28, s8;
	[tilespmem:s9+$0x4C10] =	vst v4;
	v3 =	vadd.f32 v6, v3;
	v4 =	vld [tilespmem:s9+$0xC50]  }
0xb6: {  	s3 =	sor.u32 $0x60, s28;
	s0 =	sor.u32 $0x70, s28;
	s6 =	sor.u32 $0x470, s28;
	v6 =	vld [tilespmem:s9+$0x2C50]  }
0xb7: {  	s30 =	sor.u32 s31, s30;
	s28 =	sor.u32 $0x460, s28;
	v9 =	vld [tilespmem:s6+$0x800];
	[tilespmem:s9+$0x4C20] =	vst v3;
	v2 =	vadd.f32 v5, v2  }
0xb8: {  	v3 =	vld [tilespmem:s6+$0x2800]  }
0xb9: {  	v5 =	vld [tilespmem:s3+$0x800];
	[tilespmem:s9+$0x4C30] =	vst v2;
	v2 =	vadd.f32 v8, v7  }
0xba: {  	v7 =	vld [tilespmem:s3+$0x2800]  }
0xbb: {  	v8 =	vld [tilespmem:s0+$0x800];
	[tilespmem:s9+$0x4C40] =	vst v2;
	v2 =	vadd.f32 v6, v4  }
0xbc: {  	v4 =	vld [tilespmem:s0+$0x2800]  }
0xbd: {  	v6 =	vld [tilespmem:s28+$0x800];
	v3 =	vadd.f32 v3, v9;
	[tilespmem:s9+$0x4C50] =	vst v2;
	s9 =	smov.u32 s30  }
0xbe: {  	v2 =	vld [tilespmem:s28+$0x2800]  }
0xbf: {  	v9 =	vld [tilespmem:s9+$0x800];
	v5 =	vadd.f32 v7, v5;
	[tilespmem:s6+$0x4800] =	vst v3  }
0xc0: {  	v3 =	vld [tilespmem:s9+$0x2800]  }
0xc1: {  	v7 =	vld [tilespmem:s9+$0x810];
	[tilespmem:s3+$0x4800] =	vst v5;
	v4 =	vadd.f32 v4, v8  }
0xc2: {  	v5 =	vld [tilespmem:s9+$0x2810]  }
0xc3: {  	v8 =	vld [tilespmem:s9+$0x820];
	[tilespmem:s0+$0x4800] =	vst v4;
	v2 =	vadd.f32 v2, v6  }
0xc4: {  	v4 =	vld [tilespmem:s9+$0x2820]  }
0xc5: {  	v3 =	vadd.f32 v3, v9;
	v6 =	vld [tilespmem:s9+$0x830];
	[tilespmem:s28+$0x4800] =	vst v2  }
0xc6: {  	v2 =	vld [tilespmem:s9+$0x2830]  }
0xc7: {  	[tilespmem:s9+$0x4800] =	vst v3;
	v3 =	vadd.f32 v5, v7;
	v5 =	vld [tilespmem:s9+$0x840]  }
0xc8: {  	v7 =	vld [tilespmem:s9+$0x2840]  }
0xc9: {  	[tilespmem:s9+$0x4810] =	vst v3;
	v3 =	vadd.f32 v4, v8;
	v8 =	vld [tilespmem:s9+$0x850]  }
0xca: {  	v9 =	vld [tilespmem:s9+$0x2850]  }
0xcb: {  	[tilespmem:s9+$0x4820] =	vst v3;
	v2 =	vadd.f32 v2, v6;
	v10 =	vld [tilespmem:s9+$0xC00]  }
0xcc: {  	v11 =	vld [tilespmem:s9+$0x2C00]  }
0xcd: {  	[tilespmem:s9+$0x4830] =	vst v2;
	v2 =	vadd.f32 v7, v5;
	v4 =	vld [tilespmem:s9+$0xC10]  }
.Ltmp0:
0xce: {  	v7 =	vld [tilespmem:s9+$0x2C10];
	(pc) =	sbr.rel @p0 .LBB2_3-.Ltmp0, $4  }
0xcf: {  	[tilespmem:s9+$0x4840] =	vst v2;
	v2 =	vadd.f32 v9, v8;
	v3 =	vld [tilespmem:s9+$0xC20]  }
0xd0: {  	v6 =	vld [tilespmem:s9+$0x2C20]  }
0xd1: {  	[tilespmem:s9+$0x4850] =	vst v2;
	v8 =	vadd.f32 v11, v10;
	v2 =	vld [tilespmem:s9+$0xC30]  }
0xd2: {  	s21 =	sadd.s32 $0x800, s21;
	s26 =	sadd.s32 $0x1, s26;
	v5 =	vld [tilespmem:s9+$0x2C30]  }
0xd3: {  	v9 =	vld [tilespmem:s9+$0xC40]  }
0xd4: {  	v10 =	vld [tilespmem:s9+$0x2C40]  }
0xd5: {  	v11 =	vld [tilespmem:s9+$0xC50]  }
0xd6: {  	v12 =	vld [tilespmem:s9+$0x2C50]  }
0xd7: {  	v4 =	vadd.f32 v7, v4  }
0xd8: {  	[tilespmem:s9+$0x4C00] =	vst v8;
	v3 =	vadd.f32 v6, v3  }
0xd9: {  	[tilespmem:s9+$0x4C10] =	vst v4;
	v2 =	vadd.f32 v5, v2  }
0xda: {  	[tilespmem:s9+$0x4C20] =	vst v3;
	v3 =	vadd.f32 v10, v9  }
0xdb: {  	[tilespmem:s9+$0x4C30] =	vst v2;
	v2 =	vadd.f32 v12, v11  }
0xdc: {  	[tilespmem:s9+$0x4C40] =	vst v3  }
0xdd: {  	p0 =	seq.s32 s22, $0x1F;
	[tilespmem:s9+$0x4C50] =	vst v2  }
0xde: {  	v2 =	vld.msk @!p0 [tilespmem:s20+$0x20], $0xff;
	_ =	sdelay $0x4  }
0xdf: {  	v3 =	vshll.u32 @!p0 v2, $0x3  }
0xe0: {  	v4 =	vlaneseq.u32 @!p0;
	v2 =	vand.u32 @!p0 $0x7, v2;
	v3 =	vand.u32 @!p0 $0xFFFFFFC0, v3  }
0xe1: {  	v2 =	vor.u32 @!p0 v2, v3;
	v3 =	vand.u32 @!p0 $0x7, v4;
	v4 =	vshrl.u32 @!p0 v4, $0x3  }
0xe2: {  	v2 =	vperm.xlane @!p0 v2, v3;
	v4 =	vmul.u32 @!p0 $0x8, v4;
	_ =	sdelay $0x1  }
0xe3: {  	v2 =	vadd.s32 @!p0 v4, v2;
	_ =	sdelay $0x3  }
0xe4: {  	vm1 =	vmmov @!p0 $0xffff;
	s0 =	simm.s32 @!p0 $0x0;
	s3 =	simm.s32 @!p0 $0x800  }
0xe5: {  	[tilespmem:s3], [sflag:$0x1] =	stream.indirect_vreg.gather @!p0 [hbm4b:s1+s0], $0x80, v2, vm1, $0xb8;
	[tilespmem:$0x18800] =	vst v63  }
0xe6: {  	s3 =	simm.s32 @!p0 $0x1000  }
0xe7: {  	[tilespmem:s3], [sflag:$0x1] =	stream.indirect_vreg.gather @!p0 [hbm4b:s10+s0], $0x80, v2, vm1, $0xb8;
	[tilespmem:$0x18800] =	vst v63  }
0xe8: {  	s3 =	simm.s32 @!p0 $0x1800  }
0xe9: {  	[tilespmem:s3], [sflag:$0x1] =	stream.indirect_vreg.gather @!p0 [hbm4b:s11+s0], $0x80, v2, vm1, $0xb8;
	[tilespmem:$0x18800] =	vst v63  }
0xea: {  	s3 =	simm.s32 @!p0 $0x2000  }
0xeb: {  	[tilespmem:s3], [sflag:$0x1] =	stream.indirect_vreg.gather @!p0 [hbm4b:s12+s0], $0x80, v2, vm1, $0xb8;
	[tilespmem:$0x18800] =	vst v63  }
0xec: {  	v2 =	vld.msk @!p0 [tilespmem:s20+$0x420], $0xff;
	_ =	sdelay $0x4  }
0xed: {  	v5 =	vshll.u32 @!p0 v2, $0x3  }
0xee: {  	v2 =	vand.u32 @!p0 $0x7, v2;
	v5 =	vand.u32 @!p0 $0xFFFFFFC0, v5  }
0xef: {  	v2 =	vor.u32 @!p0 v2, v5  }
0xf0: {  	v2 =	vperm.xlane @!p0 v2, v3;
	_ =	sdelay $0x1  }
0xf1: {  	v2 =	vadd.s32 @!p0 v4, v2;
	_ =	sdelay $0x3  }
0xf2: {  	s3 =	simm.s32 @!p0 $0x2800  }
0xf3: {  	[tilespmem:s3], [sflag:$0x1] =	stream.indirect_vreg.gather @!p0 [hbm4b:s2+s0], $0x80, v2, vm1, $0xb8;
	[tilespmem:$0x18800] =	vst v63  }
0xf4: {  	s3 =	simm.s32 @!p0 $0x3000  }
0xf5: {  	[tilespmem:s3], [sflag:$0x1] =	stream.indirect_vreg.gather @!p0 [hbm4b:s13+s0], $0x80, v2, vm1, $0xb8;
	[tilespmem:$0x18800] =	vst v63  }
0xf6: {  	s3 =	simm.s32 @!p0 $0x3800  }
0xf7: {  	[tilespmem:s3], [sflag:$0x1] =	stream.indirect_vreg.gather @!p0 [hbm4b:s14+s0], $0x80, v2, vm1, $0xb8;
	[tilespmem:$0x18800] =	vst v63  }
0xf8: {  	s3 =	simm.s32 @!p0 $0x4000  }
0xf9: {  	[tilespmem:s3], [sflag:$0x1] =	stream.indirect_vreg.gather @!p0 [hbm4b:s15+s0], $0x80, v2, vm1, $0xb8;
	[tilespmem:$0x18800] =	vst v63  }
0xfa: {  	s5 =	rddreg [dreg:$0x9];
	s3 =	sshll.u32 s22, $0x11  }
0xfb: {  	s0 =	sadd.s32 s5, s3  }
0xfc: {  	s8 =	sshrl.u32 s0, $0x3  }
0xfd: {  	s6 =	simm.s32 $0x4800;
	s0 =	sadd.s32 s4, s8  }
0xfe: {  	[hbm4b:s0+s19] =	stream.strided.scatter [tilespmem:s6], [sflag:$0x2], $0x400, s24, s19, $0x38;
	[tilespmem:$0x18800] =	vst v63  }
0xff: {  	s5 =	simm.s32 $0x4C00;
	s7 =	sadd.s32 $0x40, s0  }
0x100: {  	[hbm4b:s7+s19] =	stream.strided.scatter [tilespmem:s5], [sflag:$0x2], $0x400, s24, s19, $0x38;
	[tilespmem:$0x18800] =	vst v63  }
0x101: {  	s16 =	simm.s32 $0x5000;
	s9 =	sadd.s32 $0x80, s0  }
0x102: {  	[hbm4b:s9+s19] =	stream.strided.scatter [tilespmem:s16], [sflag:$0x2], $0x400, s24, s19, $0x38;
	[tilespmem:$0x18800] =	vst v63  }
0x103: {  	s26 =	simm.s32 $0x5400;
	s21 =	sadd.s32 $0xC0, s0  }
0x104: {  	[hbm4b:s21+s19] =	stream.strided.scatter [tilespmem:s26], [sflag:$0x2], $0x400, s24, s19, $0x38;
	[tilespmem:$0x18800] =	vst v63  }
0x105: {  	s31 =	simm.s32 $0x5800;
	s30 =	sadd.s32 $0x100, s0  }
0x106: {  	[hbm4b:s30+s19] =	stream.strided.scatter [tilespmem:s31], [sflag:$0x2], $0x400, s24, s19, $0x38;
	[tilespmem:$0x18800] =	vst v63  }
0x107: {  	s6 =	sadd.s32 $0x140, s0;
	s7 =	simm.s32 $0x5C00  }
0x108: {  	[hbm4b:s6+s19] =	stream.strided.scatter [tilespmem:s7], [sflag:$0x2], $0x400, s24, s19, $0x38;
	[tilespmem:$0x18800] =	vst v63  }
0x109: {  	s9 =	sadd.s32 $0x180, s0;
	s16 =	simm.s32 $0x6000  }
0x10a: {  	[hbm4b:s9+s19] =	stream.strided.scatter [tilespmem:s16], [sflag:$0x2], $0x400, s24, s19, $0x38;
	[tilespmem:$0x18800] =	vst v63  }
0x10b: {  	s0 =	sadd.s32 $0x1C0, s0;
	s21 =	simm.s32 $0x6400  }
0x10c: {  	[hbm4b:s0+s19] =	stream.strided.scatter [tilespmem:s21], [sflag:$0x2], $0x400, s24, s19, $0x38;
	[tilespmem:$0x18800] =	vst v63  }
0x10d: {  	_ =	swait.ge [sflag:s23], $0x2000  }
0x10e: {  	[sflag:s23] =	ssyncset.done $0x0  }
0x10f: {  	[sflag:s23] =	ssyncadd.s32 $0xFFFFE000  }
0x110: {  	_ =	swait.ge [sflag:s23], $0x2000  }
0x111: {  	s9 =	simm.s32 $0x0;
	[sflag:s23] =	ssyncset.done $0x0  }
0x112: {  	s26 =	sand.u32 $0x3, s9;
	s0 =	simm.s32 @!p1 $0x4;
	[sflag:s23] =	ssyncadd.s32 $0xFFFFE000  }
0x113: {  	s3 =	sshll.u32 s26, $0xB;
	_ =	swait.ge @!p1 [sflag:s0], $0x2000  }
0x114: {  	s3 =	sadd.s32 $0x0, s3;
	[sflag:s0] =	ssyncset.done @!p1 $0x0  }
0x115: {  	s30 =	sor.u32 $0x470, s3;
	[sflag:s0] =	ssyncadd.s32 @!p1 $0xFFFFE000  }
0x116: {  	v2 =	vld [tilespmem:s30+$0x6800]  }
0x117: {  	s31 =	sor.u32 $0x60, s3;
	v3 =	vld [tilespmem:s30+$0x8800]  }
0x118: {  	v4 =	vld [tilespmem:s31+$0x6800]  }
0x119: {  	s6 =	sor.u32 $0x70, s3;
	v5 =	vld [tilespmem:s31+$0x8800]  }
0x11a: {  	v6 =	vld [tilespmem:s6+$0x6800]  }
0x11b: {  	s3 =	sor.u32 $0x460, s3;
	v7 =	vld [tilespmem:s6+$0x8800]  }
0x11c: {  	s21 =	sand.u32 $0x1800, s9;
	s26 =	sand.u32 $0x380, s9;
	v8 =	vld [tilespmem:s3+$0x6800]  }
0x11d: {  	s21 =	sor.u32 s26, s21;
	v9 =	vld [tilespmem:s3+$0x8800]  }
0x11e: {  	v10 =	vld [tilespmem:s21+$0x6800]  }
0x11f: {  	v11 =	vld [tilespmem:s21+$0x8800]  }
0x120: {  	v63 =	vld [tilespmem:s21+$0x6810]  }
0x121: {  	v13 =	vld [tilespmem:s21+$0x8810]  }
0x122: {  	v14 =	vld [tilespmem:s21+$0x6820]  }
0x123: {  	v15 =	vld [tilespmem:s21+$0x8820]  }
0x124: {  	v16 =	vld [tilespmem:s21+$0x6830]  }
0x125: {  	v17 =	vld [tilespmem:s21+$0x8830]  }
0x126: {  	v2 =	vadd.f32 v3, v2;
	v3 =	vld [tilespmem:s21+$0x6840]  }
0x127: {  	v4 =	vadd.f32 v5, v4;
	v5 =	vld [tilespmem:s21+$0x8840]  }
0x128: {  	[tilespmem:s30+$0xA800] =	vst v2;
	v2 =	vadd.f32 v7, v6;
	v6 =	vld [tilespmem:s21+$0x6850]  }
0x129: {  	[tilespmem:s31+$0xA800] =	vst v4;
	v4 =	vadd.f32 v9, v8;
	v8 =	vld [tilespmem:s21+$0x8850]  }
0x12a: {  	v9 =	vld [tilespmem:s21+$0x6C00];
	[tilespmem:s6+$0xA800] =	vst v2;
	v2 =	vadd.f32 v11, v10  }
0x12b: {  	v7 =	vadd.f32 v13, v63;
	[tilespmem:s3+$0xA800] =	vst v4;
	v10 =	vld [tilespmem:s21+$0x8C00]  }
0x12c: {  	v4 =	vld [tilespmem:s21+$0x6C10];
	[tilespmem:s21+$0xA800] =	vst v2;
	v2 =	vadd.f32 v15, v14  }
0x12d: {  	[tilespmem:s21+$0xA810] =	vst v7;
	v11 =	vadd.f32 v17, v16;
	v7 =	vld [tilespmem:s21+$0x8C10]  }
0x12e: {  	[tilespmem:s21+$0xA820] =	vst v2;
	v2 =	vadd.f32 v5, v3;
	v3 =	vld [tilespmem:s21+$0x6C20]  }
0x12f: {  	[tilespmem:s21+$0xA830] =	vst v11;
	v5 =	vadd.f32 v8, v6;
	v6 =	vld [tilespmem:s21+$0x8C20]  }
0x130: {  	v8 =	vadd.f32 v10, v9;
	[tilespmem:s21+$0xA840] =	vst v2;
	v2 =	vld [tilespmem:s21+$0x6C30]  }
0x131: {  	s28 =	simm.s32 $0x1;
	s5 =	simm.s32 $0x0;
	s26 =	simm.s32 $0x800;
	[tilespmem:s21+$0xA850] =	vst v5;
	v5 =	vld [tilespmem:s21+$0x8C30]  }
.LBB2_5:
0x132: {  	s0 =	sand.u32 $0x3, s28;
	s3 =	sand.u32 $0x1800, s26;
	[tilespmem:s21+$0xAC00] =	vst v8;
	v4 =	vadd.f32 v7, v4;
	v7 =	vld [tilespmem:s21+$0x6C40]  }
0x133: {  	s5 =	sadd.s32 $0x10, s5;
	s9 =	sadd.s32 $0x20, s9;
	s0 =	sshll.u32 s0, $0xB;
	v8 =	vld [tilespmem:s21+$0x8C40]  }
0x134: {  	s6 =	sand.u32 $0x380, s9;
	p2 =	slt.u32 s5, $0x1F0;
	s0 =	sadd.s32 s0, s9;
	[tilespmem:s21+$0xAC10] =	vst v4;
	v3 =	vadd.f32 v6, v3;
	v4 =	vld [tilespmem:s21+$0x6C50]  }
0x135: {  	s30 =	sor.u32 $0x60, s0;
	s31 =	sor.u32 $0x70, s0;
	s7 =	sor.u32 $0x470, s0;
	v6 =	vld [tilespmem:s21+$0x8C50]  }
0x136: {  	s3 =	sor.u32 s6, s3;
	s0 =	sor.u32 $0x460, s0;
	v9 =	vld [tilespmem:s7+$0x6800];
	[tilespmem:s21+$0xAC20] =	vst v3;
	v2 =	vadd.f32 v5, v2  }
0x137: {  	v3 =	vld [tilespmem:s7+$0x8800]  }
0x138: {  	v5 =	vld [tilespmem:s30+$0x6800];
	[tilespmem:s21+$0xAC30] =	vst v2;
	v2 =	vadd.f32 v8, v7  }
0x139: {  	v7 =	vld [tilespmem:s30+$0x8800]  }
0x13a: {  	v8 =	vld [tilespmem:s31+$0x6800];
	[tilespmem:s21+$0xAC40] =	vst v2;
	v2 =	vadd.f32 v6, v4  }
0x13b: {  	v4 =	vld [tilespmem:s31+$0x8800]  }
0x13c: {  	v6 =	vld [tilespmem:s0+$0x6800];
	v3 =	vadd.f32 v3, v9;
	[tilespmem:s21+$0xAC50] =	vst v2;
	s21 =	smov.u32 s3  }
0x13d: {  	v2 =	vld [tilespmem:s0+$0x8800]  }
0x13e: {  	v9 =	vld [tilespmem:s21+$0x6800];
	v5 =	vadd.f32 v7, v5;
	[tilespmem:s7+$0xA800] =	vst v3  }
0x13f: {  	v3 =	vld [tilespmem:s21+$0x8800]  }
0x140: {  	v7 =	vld [tilespmem:s21+$0x6810];
	[tilespmem:s30+$0xA800] =	vst v5;
	v4 =	vadd.f32 v4, v8  }
0x141: {  	v5 =	vld [tilespmem:s21+$0x8810]  }
0x142: {  	v8 =	vld [tilespmem:s21+$0x6820];
	[tilespmem:s31+$0xA800] =	vst v4;
	v2 =	vadd.f32 v2, v6  }
0x143: {  	v4 =	vld [tilespmem:s21+$0x8820]  }
0x144: {  	v3 =	vadd.f32 v3, v9;
	v6 =	vld [tilespmem:s21+$0x6830];
	[tilespmem:s0+$0xA800] =	vst v2  }
0x145: {  	v2 =	vld [tilespmem:s21+$0x8830]  }
0x146: {  	[tilespmem:s21+$0xA800] =	vst v3;
	v3 =	vadd.f32 v5, v7;
	v5 =	vld [tilespmem:s21+$0x6840]  }
0x147: {  	v7 =	vld [tilespmem:s21+$0x8840]  }
0x148: {  	[tilespmem:s21+$0xA810] =	vst v3;
	v3 =	vadd.f32 v4, v8;
	v8 =	vld [tilespmem:s21+$0x6850]  }
0x149: {  	v9 =	vld [tilespmem:s21+$0x8850]  }
0x14a: {  	[tilespmem:s21+$0xA820] =	vst v3;
	v2 =	vadd.f32 v2, v6;
	v10 =	vld [tilespmem:s21+$0x6C00]  }
0x14b: {  	v11 =	vld [tilespmem:s21+$0x8C00]  }
0x14c: {  	[tilespmem:s21+$0xA830] =	vst v2;
	v2 =	vadd.f32 v7, v5;
	v4 =	vld [tilespmem:s21+$0x6C10]  }
.Ltmp1:
0x14d: {  	v7 =	vld [tilespmem:s21+$0x8C10];
	(pc) =	sbr.rel @p2 .LBB2_5-.Ltmp1, $4  }
0x14e: {  	[tilespmem:s21+$0xA840] =	vst v2;
	v2 =	vadd.f32 v9, v8;
	v3 =	vld [tilespmem:s21+$0x6C20]  }
0x14f: {  	v6 =	vld [tilespmem:s21+$0x8C20]  }
0x150: {  	[tilespmem:s21+$0xA850] =	vst v2;
	v8 =	vadd.f32 v11, v10;
	v2 =	vld [tilespmem:s21+$0x6C30]  }
0x151: {  	s26 =	sadd.s32 $0x800, s26;
	s28 =	sadd.s32 $0x1, s28;
	v5 =	vld [tilespmem:s21+$0x8C30]  }
0x152: {  	v9 =	vld [tilespmem:s21+$0x6C40]  }
0x153: {  	v10 =	vld [tilespmem:s21+$0x8C40]  }
0x154: {  	v11 =	vld [tilespmem:s21+$0x6C50]  }
0x155: {  	v12 =	vld [tilespmem:s21+$0x8C50]  }
0x156: {  	v4 =	vadd.f32 v7, v4  }
0x157: {  	[tilespmem:s21+$0xAC00] =	vst v8;
	v3 =	vadd.f32 v6, v3  }
0x158: {  	[tilespmem:s21+$0xAC10] =	vst v4;
	v2 =	vadd.f32 v5, v2  }
0x159: {  	[tilespmem:s21+$0xAC20] =	vst v3;
	v3 =	vadd.f32 v10, v9  }
0x15a: {  	[tilespmem:s21+$0xAC30] =	vst v2;
	v2 =	vadd.f32 v12, v11  }
0x15b: {  	[tilespmem:s21+$0xAC40] =	vst v3  }
0x15c: {  	[tilespmem:s21+$0xAC50] =	vst v2  }
0x15d: {  	v2 =	vld.msk @!p0 [tilespmem:s20+$0x28], $0xff;
	_ =	sdelay $0x4  }
0x15e: {  	v3 =	vshll.u32 @!p0 v2, $0x3  }
0x15f: {  	v4 =	vlaneseq.u32 @!p0;
	v2 =	vand.u32 @!p0 $0x7, v2;
	v3 =	vand.u32 @!p0 $0xFFFFFFC0, v3  }
0x160: {  	v2 =	vor.u32 @!p0 v2, v3;
	v3 =	vand.u32 @!p0 $0x7, v4;
	v4 =	vshrl.u32 @!p0 v4, $0x3  }
0x161: {  	v2 =	vperm.xlane @!p0 v2, v3;
	v4 =	vmul.u32 @!p0 $0x8, v4;
	_ =	sdelay $0x1  }
0x162: {  	v2 =	vadd.s32 @!p0 v4, v2;
	_ =	sdelay $0x3  }
0x163: {  	s0 =	simm.s32 @!p0 $0x0;
	s3 =	simm.s32 @!p0 $0x6800  }
0x164: {  	[tilespmem:s3], [sflag:$0x3] =	stream.indirect_vreg.gather @!p0 [hbm4b:s1+s0], $0x80, v2, vm1, $0xb8;
	[tilespmem:$0x18800] =	vst v63  }
0x165: {  	s3 =	simm.s32 @!p0 $0x7000  }
0x166: {  	[tilespmem:s3], [sflag:$0x3] =	stream.indirect_vreg.gather @!p0 [hbm4b:s10+s0], $0x80, v2, vm1, $0xb8;
	[tilespmem:$0x18800] =	vst v63  }
0x167: {  	s3 =	simm.s32 @!p0 $0x7800  }
0x168: {  	[tilespmem:s3], [sflag:$0x3] =	stream.indirect_vreg.gather @!p0 [hbm4b:s11+s0], $0x80, v2, vm1, $0xb8;
	[tilespmem:$0x18800] =	vst v63  }
0x169: {  	s3 =	simm.s32 @!p0 $0x8000  }
0x16a: {  	[tilespmem:s3], [sflag:$0x3] =	stream.indirect_vreg.gather @!p0 [hbm4b:s12+s0], $0x80, v2, vm1, $0xb8;
	[tilespmem:$0x18800] =	vst v63  }
0x16b: {  	v2 =	vld.msk @!p0 [tilespmem:s20+$0x428], $0xff;
	_ =	sdelay $0x4  }
0x16c: {  	v5 =	vshll.u32 @!p0 v2, $0x3  }
0x16d: {  	v2 =	vand.u32 @!p0 $0x7, v2;
	v5 =	vand.u32 @!p0 $0xFFFFFFC0, v5  }
0x16e: {  	v2 =	vor.u32 @!p0 v2, v5  }
0x16f: {  	v2 =	vperm.xlane @!p0 v2, v3;
	_ =	sdelay $0x1  }
0x170: {  	v2 =	vadd.s32 @!p0 v4, v2;
	_ =	sdelay $0x3  }
0x171: {  	s3 =	simm.s32 @!p0 $0x8800  }
0x172: {  	[tilespmem:s3], [sflag:$0x3] =	stream.indirect_vreg.gather @!p0 [hbm4b:s2+s0], $0x80, v2, vm1, $0xb8;
	[tilespmem:$0x18800] =	vst v63  }
0x173: {  	s3 =	simm.s32 @!p0 $0x9000  }
0x174: {  	[tilespmem:s3], [sflag:$0x3] =	stream.indirect_vreg.gather @!p0 [hbm4b:s13+s0], $0x80, v2, vm1, $0xb8;
	[tilespmem:$0x18800] =	vst v63  }
0x175: {  	s3 =	simm.s32 @!p0 $0x9800  }
0x176: {  	[tilespmem:s3], [sflag:$0x3] =	stream.indirect_vreg.gather @!p0 [hbm4b:s14+s0], $0x80, v2, vm1, $0xb8;
	[tilespmem:$0x18800] =	vst v63  }
0x177: {  	s5 =	rddreg [dreg:$0x6];
	s3 =	simm.s32 @!p0 $0xA000  }
0x178: {  	[tilespmem:s3], [sflag:$0x3] =	stream.indirect_vreg.gather @!p0 [hbm4b:s15+s0], $0x80, v2, vm1, $0xb8;
	[tilespmem:$0x18800] =	vst v63  }
0x179: {  	s0 =	sadd.s32 s20, s5  }
0x17a: {  	s0 =	sshll.u32 s0, $0xC  }
0x17b: {  	s9 =	sor.u32 s17, s0  }
0x17c: {  	s0 =	sadd.s32 $0x8000, s9  }
0x17d: {  	s0 =	sshrl.u32 s0, $0x3  }
0x17e: {  	s6 =	simm.s32 $0xA800;
	s0 =	sadd.s32 s4, s0  }
0x17f: {  	[hbm4b:s0+s19] =	stream.strided.scatter [tilespmem:s6], [sflag:$0x4], $0x400, s24, s19, $0x38;
	[tilespmem:$0x18800] =	vst v63  }
0x180: {  	s5 =	simm.s32 $0xAC00;
	s7 =	sadd.s32 $0x40, s0  }
0x181: {  	[hbm4b:s7+s19] =	stream.strided.scatter [tilespmem:s5], [sflag:$0x4], $0x400, s24, s19, $0x38;
	[tilespmem:$0x18800] =	vst v63  }
0x182: {  	s21 =	simm.s32 $0xB000;
	s16 =	sadd.s32 $0x80, s0  }
0x183: {  	[hbm4b:s16+s19] =	stream.strided.scatter [tilespmem:s21], [sflag:$0x4], $0x400, s24, s19, $0x38;
	[tilespmem:$0x18800] =	vst v63  }
0x184: {  	s31 =	simm.s32 $0xB400;
	s26 =	sadd.s32 $0xC0, s0  }
0x185: {  	[hbm4b:s26+s19] =	stream.strided.scatter [tilespmem:s31], [sflag:$0x4], $0x400, s24, s19, $0x38;
	[tilespmem:$0x18800] =	vst v63  }
0x186: {  	s6 =	sadd.s32 $0x100, s0;
	s7 =	simm.s32 $0xB800  }
0x187: {  	[hbm4b:s6+s19] =	stream.strided.scatter [tilespmem:s7], [sflag:$0x4], $0x400, s24, s19, $0x38;
	[tilespmem:$0x18800] =	vst v63  }
0x188: {  	s16 =	sadd.s32 $0x140, s0;
	s21 =	simm.s32 $0xBC00  }
0x189: {  	[hbm4b:s16+s19] =	stream.strided.scatter [tilespmem:s21], [sflag:$0x4], $0x400, s24, s19, $0x38;
	[tilespmem:$0x18800] =	vst v63  }
0x18a: {  	s26 =	sadd.s32 $0x180, s0;
	s31 =	simm.s32 $0xC000  }
0x18b: {  	[hbm4b:s26+s19] =	stream.strided.scatter [tilespmem:s31], [sflag:$0x4], $0x400, s24, s19, $0x38;
	[tilespmem:$0x18800] =	vst v63  }
0x18c: {  	s0 =	sadd.s32 $0x1C0, s0;
	s6 =	simm.s32 $0xC400  }
0x18d: {  	[hbm4b:s0+s19] =	stream.strided.scatter [tilespmem:s6], [sflag:$0x4], $0x400, s24, s19, $0x38;
	[tilespmem:$0x18800] =	vst v63  }
0x18e: {  	_ =	swait.ge [sflag:s29], $0x2000  }
0x18f: {  	[sflag:s29] =	ssyncset.done $0x0  }
0x190: {  	[sflag:s29] =	ssyncadd.s32 $0xFFFFE000  }
0x191: {  	_ =	swait.ge [sflag:s29], $0x2000  }
0x192: {  	s21 =	simm.s32 $0x0;
	[sflag:s29] =	ssyncset.done $0x0  }
0x193: {  	s7 =	sand.u32 $0x3, s21;
	s0 =	simm.s32 @!p1 $0x6;
	[sflag:s29] =	ssyncadd.s32 $0xFFFFE000  }
0x194: {  	s3 =	sshll.u32 s7, $0xB;
	_ =	swait.ge @!p1 [sflag:s0], $0x2000  }
0x195: {  	s3 =	sadd.s32 $0x0, s3;
	[sflag:s0] =	ssyncset.done @!p1 $0x0  }
0x196: {  	s16 =	sor.u32 $0x470, s3;
	[sflag:s0] =	ssyncadd.s32 @!p1 $0xFFFFE000  }
0x197: {  	v2 =	vld [tilespmem:s16+$0xC800]  }
0x198: {  	s6 =	sor.u32 $0x60, s3;
	v3 =	vld [tilespmem:s16+$0xE800]  }
0x199: {  	v4 =	vld [tilespmem:s6+$0xC800]  }
0x19a: {  	s7 =	sor.u32 $0x70, s3;
	v5 =	vld [tilespmem:s6+$0xE800]  }
0x19b: {  	v6 =	vld [tilespmem:s7+$0xC800]  }
0x19c: {  	s3 =	sor.u32 $0x460, s3;
	v7 =	vld [tilespmem:s7+$0xE800]  }
0x19d: {  	s31 =	sand.u32 $0x1800, s21;
	s26 =	sand.u32 $0x380, s21;
	v8 =	vld [tilespmem:s3+$0xC800]  }
0x19e: {  	s5 =	sor.u32 s26, s31;
	v9 =	vld [tilespmem:s3+$0xE800]  }
0x19f: {  	v10 =	vld [tilespmem:s5+$0xC800]  }
0x1a0: {  	v11 =	vld [tilespmem:s5+$0xE800]  }
0x1a1: {  	v63 =	vld [tilespmem:s5+$0xC810]  }
0x1a2: {  	v13 =	vld [tilespmem:s5+$0xE810]  }
0x1a3: {  	v14 =	vld [tilespmem:s5+$0xC820]  }
0x1a4: {  	v15 =	vld [tilespmem:s5+$0xE820]  }
0x1a5: {  	v16 =	vld [tilespmem:s5+$0xC830]  }
0x1a6: {  	v17 =	vld [tilespmem:s5+$0xE830]  }
0x1a7: {  	v2 =	vadd.f32 v3, v2;
	v3 =	vld [tilespmem:s5+$0xC840]  }
0x1a8: {  	v4 =	vadd.f32 v5, v4;
	v5 =	vld [tilespmem:s5+$0xE840]  }
0x1a9: {  	[tilespmem:s16+$0x10800] =	vst v2;
	v2 =	vadd.f32 v7, v6;
	v6 =	vld [tilespmem:s5+$0xC850]  }
0x1aa: {  	[tilespmem:s6+$0x10800] =	vst v4;
	v4 =	vadd.f32 v9, v8;
	v8 =	vld [tilespmem:s5+$0xE850]  }
0x1ab: {  	v9 =	vld [tilespmem:s5+$0xCC00];
	[tilespmem:s7+$0x10800] =	vst v2;
	v2 =	vadd.f32 v11, v10  }
0x1ac: {  	v7 =	vadd.f32 v13, v63;
	[tilespmem:s3+$0x10800] =	vst v4;
	v10 =	vld [tilespmem:s5+$0xEC00]  }
0x1ad: {  	v4 =	vld [tilespmem:s5+$0xCC10];
	[tilespmem:s5+$0x10800] =	vst v2;
	v2 =	vadd.f32 v15, v14  }
0x1ae: {  	[tilespmem:s5+$0x10810] =	vst v7;
	v11 =	vadd.f32 v17, v16;
	v7 =	vld [tilespmem:s5+$0xEC10]  }
0x1af: {  	[tilespmem:s5+$0x10820] =	vst v2;
	v2 =	vadd.f32 v5, v3;
	v3 =	vld [tilespmem:s5+$0xCC20]  }
0x1b0: {  	[tilespmem:s5+$0x10830] =	vst v11;
	v5 =	vadd.f32 v8, v6;
	v6 =	vld [tilespmem:s5+$0xEC20]  }
0x1b1: {  	v8 =	vadd.f32 v10, v9;
	[tilespmem:s5+$0x10840] =	vst v2;
	v2 =	vld [tilespmem:s5+$0xCC30]  }
0x1b2: {  	s28 =	simm.s32 $0x800;
	s30 =	simm.s32 $0x1;
	s26 =	simm.s32 $0x0;
	[tilespmem:s5+$0x10850] =	vst v5;
	v5 =	vld [tilespmem:s5+$0xEC30]  }
.LBB2_7:
0x1b3: {  	s0 =	sand.u32 $0x3, s30;
	s3 =	sand.u32 $0x1800, s28;
	[tilespmem:s5+$0x10C00] =	vst v8;
	v4 =	vadd.f32 v7, v4;
	v7 =	vld [tilespmem:s5+$0xCC40]  }
0x1b4: {  	s26 =	sadd.s32 $0x10, s26;
	s21 =	sadd.s32 $0x20, s21;
	s0 =	sshll.u32 s0, $0xB;
	v8 =	vld [tilespmem:s5+$0xEC40]  }
0x1b5: {  	s6 =	sand.u32 $0x380, s21;
	p2 =	slt.u32 s26, $0x1F0;
	s0 =	sadd.s32 s0, s21;
	[tilespmem:s5+$0x10C10] =	vst v4;
	v3 =	vadd.f32 v6, v3;
	v4 =	vld [tilespmem:s5+$0xCC50]  }
0x1b6: {  	s7 =	sor.u32 $0x60, s0;
	s31 =	sor.u32 $0x70, s0;
	s16 =	sor.u32 $0x470, s0;
	v6 =	vld [tilespmem:s5+$0xEC50]  }
0x1b7: {  	s3 =	sor.u32 s6, s3;
	s0 =	sor.u32 $0x460, s0;
	v9 =	vld [tilespmem:s16+$0xC800];
	[tilespmem:s5+$0x10C20] =	vst v3;
	v2 =	vadd.f32 v5, v2  }
0x1b8: {  	v3 =	vld [tilespmem:s16+$0xE800]  }
0x1b9: {  	v5 =	vld [tilespmem:s7+$0xC800];
	[tilespmem:s5+$0x10C30] =	vst v2;
	v2 =	vadd.f32 v8, v7  }
0x1ba: {  	v7 =	vld [tilespmem:s7+$0xE800]  }
0x1bb: {  	v8 =	vld [tilespmem:s31+$0xC800];
	[tilespmem:s5+$0x10C40] =	vst v2;
	v2 =	vadd.f32 v6, v4  }
0x1bc: {  	v4 =	vld [tilespmem:s31+$0xE800]  }
0x1bd: {  	v6 =	vld [tilespmem:s0+$0xC800];
	v3 =	vadd.f32 v3, v9;
	[tilespmem:s5+$0x10C50] =	vst v2;
	s5 =	smov.u32 s3  }
0x1be: {  	v2 =	vld [tilespmem:s0+$0xE800]  }
0x1bf: {  	v9 =	vld [tilespmem:s5+$0xC800];
	v5 =	vadd.f32 v7, v5;
	[tilespmem:s16+$0x10800] =	vst v3  }
0x1c0: {  	v3 =	vld [tilespmem:s5+$0xE800]  }
0x1c1: {  	v7 =	vld [tilespmem:s5+$0xC810];
	[tilespmem:s7+$0x10800] =	vst v5;
	v4 =	vadd.f32 v4, v8  }
0x1c2: {  	v5 =	vld [tilespmem:s5+$0xE810]  }
0x1c3: {  	v8 =	vld [tilespmem:s5+$0xC820];
	[tilespmem:s31+$0x10800] =	vst v4;
	v2 =	vadd.f32 v2, v6  }
0x1c4: {  	v4 =	vld [tilespmem:s5+$0xE820]  }
0x1c5: {  	v3 =	vadd.f32 v3, v9;
	v6 =	vld [tilespmem:s5+$0xC830];
	[tilespmem:s0+$0x10800] =	vst v2  }
0x1c6: {  	v2 =	vld [tilespmem:s5+$0xE830]  }
0x1c7: {  	[tilespmem:s5+$0x10800] =	vst v3;
	v3 =	vadd.f32 v5, v7;
	v5 =	vld [tilespmem:s5+$0xC840]  }
0x1c8: {  	v7 =	vld [tilespmem:s5+$0xE840]  }
0x1c9: {  	[tilespmem:s5+$0x10810] =	vst v3;
	v3 =	vadd.f32 v4, v8;
	v8 =	vld [tilespmem:s5+$0xC850]  }
0x1ca: {  	v9 =	vld [tilespmem:s5+$0xE850]  }
0x1cb: {  	[tilespmem:s5+$0x10820] =	vst v3;
	v2 =	vadd.f32 v2, v6;
	v10 =	vld [tilespmem:s5+$0xCC00]  }
0x1cc: {  	v11 =	vld [tilespmem:s5+$0xEC00]  }
0x1cd: {  	[tilespmem:s5+$0x10830] =	vst v2;
	v2 =	vadd.f32 v7, v5;
	v4 =	vld [tilespmem:s5+$0xCC10]  }
.Ltmp2:
0x1ce: {  	v7 =	vld [tilespmem:s5+$0xEC10];
	(pc) =	sbr.rel @p2 .LBB2_7-.Ltmp2, $4  }
0x1cf: {  	[tilespmem:s5+$0x10840] =	vst v2;
	v2 =	vadd.f32 v9, v8;
	v3 =	vld [tilespmem:s5+$0xCC20]  }
0x1d0: {  	v6 =	vld [tilespmem:s5+$0xEC20]  }
0x1d1: {  	[tilespmem:s5+$0x10850] =	vst v2;
	v8 =	vadd.f32 v11, v10;
	v2 =	vld [tilespmem:s5+$0xCC30]  }
0x1d2: {  	s28 =	sadd.s32 $0x800, s28;
	s30 =	sadd.s32 $0x1, s30;
	v5 =	vld [tilespmem:s5+$0xEC30]  }
0x1d3: {  	v9 =	vld [tilespmem:s5+$0xCC40]  }
0x1d4: {  	v10 =	vld [tilespmem:s5+$0xEC40]  }
0x1d5: {  	v11 =	vld [tilespmem:s5+$0xCC50]  }
0x1d6: {  	v12 =	vld [tilespmem:s5+$0xEC50]  }
0x1d7: {  	v4 =	vadd.f32 v7, v4  }
0x1d8: {  	[tilespmem:s5+$0x10C00] =	vst v8;
	v3 =	vadd.f32 v6, v3  }
0x1d9: {  	[tilespmem:s5+$0x10C10] =	vst v4;
	v2 =	vadd.f32 v5, v2  }
0x1da: {  	[tilespmem:s5+$0x10C20] =	vst v3;
	v3 =	vadd.f32 v10, v9  }
0x1db: {  	[tilespmem:s5+$0x10C30] =	vst v2;
	v2 =	vadd.f32 v12, v11  }
0x1dc: {  	[tilespmem:s5+$0x10C40] =	vst v3  }
0x1dd: {  	[tilespmem:s5+$0x10C50] =	vst v2  }
0x1de: {  	v2 =	vld.msk @!p0 [tilespmem:s20+$0x30], $0xff;
	_ =	sdelay $0x4  }
0x1df: {  	v3 =	vshll.u32 @!p0 v2, $0x3  }
0x1e0: {  	v4 =	vlaneseq.u32 @!p0;
	v2 =	vand.u32 @!p0 $0x7, v2;
	v3 =	vand.u32 @!p0 $0xFFFFFFC0, v3  }
0x1e1: {  	v2 =	vor.u32 @!p0 v2, v3;
	v3 =	vand.u32 @!p0 $0x7, v4;
	v4 =	vshrl.u32 @!p0 v4, $0x3  }
0x1e2: {  	v2 =	vperm.xlane @!p0 v2, v3;
	v4 =	vmul.u32 @!p0 $0x8, v4;
	_ =	sdelay $0x1  }
0x1e3: {  	v2 =	vadd.s32 @!p0 v4, v2;
	_ =	sdelay $0x3  }
0x1e4: {  	s0 =	simm.s32 @!p0 $0x0;
	s3 =	simm.s32 @!p0 $0xC800  }
0x1e5: {  	[tilespmem:s3], [sflag:$0x5] =	stream.indirect_vreg.gather @!p0 [hbm4b:s1+s0], $0x80, v2, vm1, $0xb8;
	[tilespmem:$0x18800] =	vst v63  }
0x1e6: {  	s3 =	simm.s32 @!p0 $0xD000  }
0x1e7: {  	[tilespmem:s3], [sflag:$0x5] =	stream.indirect_vreg.gather @!p0 [hbm4b:s10+s0], $0x80, v2, vm1, $0xb8;
	[tilespmem:$0x18800] =	vst v63  }
0x1e8: {  	s3 =	simm.s32 @!p0 $0xD800  }
0x1e9: {  	[tilespmem:s3], [sflag:$0x5] =	stream.indirect_vreg.gather @!p0 [hbm4b:s11+s0], $0x80, v2, vm1, $0xb8;
	[tilespmem:$0x18800] =	vst v63  }
0x1ea: {  	s3 =	simm.s32 @!p0 $0xE000  }
0x1eb: {  	[tilespmem:s3], [sflag:$0x5] =	stream.indirect_vreg.gather @!p0 [hbm4b:s12+s0], $0x80, v2, vm1, $0xb8;
	[tilespmem:$0x18800] =	vst v63  }
0x1ec: {  	v2 =	vld.msk @!p0 [tilespmem:s20+$0x430], $0xff;
	_ =	sdelay $0x4  }
0x1ed: {  	v5 =	vshll.u32 @!p0 v2, $0x3  }
0x1ee: {  	v2 =	vand.u32 @!p0 $0x7, v2;
	v5 =	vand.u32 @!p0 $0xFFFFFFC0, v5  }
0x1ef: {  	v2 =	vor.u32 @!p0 v2, v5  }
0x1f0: {  	v2 =	vperm.xlane @!p0 v2, v3;
	_ =	sdelay $0x1  }
0x1f1: {  	v2 =	vadd.s32 @!p0 v4, v2;
	_ =	sdelay $0x3  }
0x1f2: {  	s3 =	simm.s32 @!p0 $0xE800  }
0x1f3: {  	[tilespmem:s3], [sflag:$0x5] =	stream.indirect_vreg.gather @!p0 [hbm4b:s2+s0], $0x80, v2, vm1, $0xb8;
	[tilespmem:$0x18800] =	vst v63  }
0x1f4: {  	s3 =	simm.s32 @!p0 $0xF000  }
0x1f5: {  	[tilespmem:s3], [sflag:$0x5] =	stream.indirect_vreg.gather @!p0 [hbm4b:s13+s0], $0x80, v2, vm1, $0xb8;
	[tilespmem:$0x18800] =	vst v63  }
0x1f6: {  	s3 =	simm.s32 @!p0 $0xF800  }
0x1f7: {  	[tilespmem:s3], [sflag:$0x5] =	stream.indirect_vreg.gather @!p0 [hbm4b:s14+s0], $0x80, v2, vm1, $0xb8;
	[tilespmem:$0x18800] =	vst v63  }
0x1f8: {  	s3 =	simm.s32 @!p0 $0x10000  }
0x1f9: {  	[tilespmem:s3], [sflag:$0x5] =	stream.indirect_vreg.gather @!p0 [hbm4b:s15+s0], $0x80, v2, vm1, $0xb8;
	[tilespmem:$0x18800] =	vst v63  }
0x1fa: {  	s3 =	rddreg [dreg:$0xa]  }
0x1fb: {  	s5 =	simm.s32 $0x10800;
	s0 =	sadd.s32 s8, s3  }
0x1fc: {  	[hbm4b:s0+s19] =	stream.strided.scatter [tilespmem:s5], [sflag:$0x6], $0x400, s24, s19, $0x38;
	[tilespmem:$0x18800] =	vst v63  }
0x1fd: {  	s7 =	simm.s32 $0x10C00;
	s6 =	sadd.s32 $0x40, s0  }
0x1fe: {  	[hbm4b:s6+s19] =	stream.strided.scatter [tilespmem:s7], [sflag:$0x6], $0x400, s24, s19, $0x38;
	[tilespmem:$0x18800] =	vst v63  }
0x1ff: {  	s16 =	simm.s32 $0x11000;
	s8 =	sadd.s32 $0x80, s0  }
0x200: {  	[hbm4b:s8+s19] =	stream.strided.scatter [tilespmem:s16], [sflag:$0x6], $0x400, s24, s19, $0x38;
	[tilespmem:$0x18800] =	vst v63  }
0x201: {  	s26 =	simm.s32 $0x11400;
	s21 =	sadd.s32 $0xC0, s0  }
0x202: {  	[hbm4b:s21+s19] =	stream.strided.scatter [tilespmem:s26], [sflag:$0x6], $0x400, s24, s19, $0x38;
	[tilespmem:$0x18800] =	vst v63  }
0x203: {  	s31 =	simm.s32 $0x11800;
	s30 =	sadd.s32 $0x100, s0  }
0x204: {  	[hbm4b:s30+s19] =	stream.strided.scatter [tilespmem:s31], [sflag:$0x6], $0x400, s24, s19, $0x38;
	[tilespmem:$0x18800] =	vst v63  }
0x205: {  	s6 =	sadd.s32 $0x140, s0;
	s7 =	simm.s32 $0x11C00  }
0x206: {  	[hbm4b:s6+s19] =	stream.strided.scatter [tilespmem:s7], [sflag:$0x6], $0x400, s24, s19, $0x38;
	[tilespmem:$0x18800] =	vst v63  }
0x207: {  	s8 =	sadd.s32 $0x180, s0;
	s16 =	simm.s32 $0x12000  }
0x208: {  	[hbm4b:s8+s19] =	stream.strided.scatter [tilespmem:s16], [sflag:$0x6], $0x400, s24, s19, $0x38;
	[tilespmem:$0x18800] =	vst v63  }
0x209: {  	s0 =	sadd.s32 $0x1C0, s0;
	s21 =	simm.s32 $0x12400  }
0x20a: {  	[hbm4b:s0+s19] =	stream.strided.scatter [tilespmem:s21], [sflag:$0x6], $0x400, s24, s19, $0x38;
	[tilespmem:$0x18800] =	vst v63  }
0x20b: {  	_ =	swait.ge [sflag:s18], $0x2000  }
0x20c: {  	[sflag:s18] =	ssyncset.done $0x0  }
0x20d: {  	[sflag:s18] =	ssyncadd.s32 $0xFFFFE000  }
0x20e: {  	_ =	swait.ge [sflag:s18], $0x2000  }
0x20f: {  	s8 =	simm.s32 $0x0;
	[sflag:s18] =	ssyncset.done $0x0  }
0x210: {  	s26 =	sand.u32 $0x3, s8;
	s0 =	simm.s32 @!p1 $0x8;
	[sflag:s18] =	ssyncadd.s32 $0xFFFFE000  }
0x211: {  	s3 =	sshll.u32 s26, $0xB;
	_ =	swait.ge @!p1 [sflag:s0], $0x2000  }
0x212: {  	s3 =	sadd.s32 $0x0, s3;
	[sflag:s0] =	ssyncset.done @!p1 $0x0  }
0x213: {  	s30 =	sor.u32 $0x470, s3;
	[sflag:s0] =	ssyncadd.s32 @!p1 $0xFFFFE000  }
0x214: {  	v2 =	vld [tilespmem:s30+$0x12800]  }
0x215: {  	s6 =	sor.u32 $0x60, s3;
	v3 =	vld [tilespmem:s30+$0x14800]  }
0x216: {  	v4 =	vld [tilespmem:s6+$0x12800]  }
0x217: {  	s7 =	sor.u32 $0x70, s3;
	v5 =	vld [tilespmem:s6+$0x14800]  }
0x218: {  	v6 =	vld [tilespmem:s7+$0x12800]  }
0x219: {  	s3 =	sor.u32 $0x460, s3;
	v7 =	vld [tilespmem:s7+$0x14800]  }
0x21a: {  	s31 =	sand.u32 $0x1800, s8;
	s16 =	sand.u32 $0x380, s8;
	v8 =	vld [tilespmem:s3+$0x12800]  }
0x21b: {  	s5 =	sor.u32 s16, s31;
	v9 =	vld [tilespmem:s3+$0x14800]  }
0x21c: {  	v10 =	vld [tilespmem:s5+$0x12800]  }
0x21d: {  	v11 =	vld [tilespmem:s5+$0x14800]  }
0x21e: {  	v63 =	vld [tilespmem:s5+$0x12810]  }
0x21f: {  	v13 =	vld [tilespmem:s5+$0x14810]  }
0x220: {  	v14 =	vld [tilespmem:s5+$0x12820]  }
0x221: {  	v15 =	vld [tilespmem:s5+$0x14820]  }
0x222: {  	v16 =	vld [tilespmem:s5+$0x12830]  }
0x223: {  	v17 =	vld [tilespmem:s5+$0x14830]  }
0x224: {  	v2 =	vadd.f32 v3, v2;
	v3 =	vld [tilespmem:s5+$0x12840]  }
0x225: {  	v4 =	vadd.f32 v5, v4;
	v5 =	vld [tilespmem:s5+$0x14840]  }
0x226: {  	[tilespmem:s30+$0x16800] =	vst v2;
	v2 =	vadd.f32 v7, v6;
	v6 =	vld [tilespmem:s5+$0x12850]  }
0x227: {  	[tilespmem:s6+$0x16800] =	vst v4;
	v4 =	vadd.f32 v9, v8;
	v8 =	vld [tilespmem:s5+$0x14850]  }
0x228: {  	v9 =	vld [tilespmem:s5+$0x12C00];
	[tilespmem:s7+$0x16800] =	vst v2;
	v2 =	vadd.f32 v11, v10  }
0x229: {  	v7 =	vadd.f32 v13, v63;
	[tilespmem:s3+$0x16800] =	vst v4;
	v10 =	vld [tilespmem:s5+$0x14C00]  }
0x22a: {  	v4 =	vld [tilespmem:s5+$0x12C10];
	[tilespmem:s5+$0x16800] =	vst v2;
	v2 =	vadd.f32 v15, v14  }
0x22b: {  	[tilespmem:s5+$0x16810] =	vst v7;
	v11 =	vadd.f32 v17, v16;
	v7 =	vld [tilespmem:s5+$0x14C10]  }
0x22c: {  	[tilespmem:s5+$0x16820] =	vst v2;
	v2 =	vadd.f32 v5, v3;
	v3 =	vld [tilespmem:s5+$0x12C20]  }
0x22d: {  	[tilespmem:s5+$0x16830] =	vst v11;
	v5 =	vadd.f32 v8, v6;
	v6 =	vld [tilespmem:s5+$0x14C20]  }
0x22e: {  	v8 =	vadd.f32 v10, v9;
	[tilespmem:s5+$0x16840] =	vst v2;
	v2 =	vld [tilespmem:s5+$0x12C30]  }
0x22f: {  	s28 =	simm.s32 $0x1;
	s21 =	simm.s32 $0x0;
	s26 =	simm.s32 $0x800;
	[tilespmem:s5+$0x16850] =	vst v5;
	v5 =	vld [tilespmem:s5+$0x14C30]  }
.LBB2_9:
0x230: {  	s0 =	sand.u32 $0x3, s28;
	s3 =	sand.u32 $0x1800, s26;
	[tilespmem:s5+$0x16C00] =	vst v8;
	v4 =	vadd.f32 v7, v4;
	v7 =	vld [tilespmem:s5+$0x12C40]  }
0x231: {  	s21 =	sadd.s32 $0x10, s21;
	s8 =	sadd.s32 $0x20, s8;
	s0 =	sshll.u32 s0, $0xB;
	v8 =	vld [tilespmem:s5+$0x14C40]  }
0x232: {  	s6 =	sand.u32 $0x380, s8;
	p1 =	slt.u32 s21, $0x1F0;
	s0 =	sadd.s32 s0, s8;
	[tilespmem:s5+$0x16C10] =	vst v4;
	v3 =	vadd.f32 v6, v3;
	v4 =	vld [tilespmem:s5+$0x12C50]  }
0x233: {  	s7 =	sor.u32 $0x60, s0;
	s16 =	sor.u32 $0x70, s0;
	s30 =	sor.u32 $0x470, s0;
	v6 =	vld [tilespmem:s5+$0x14C50]  }
0x234: {  	s3 =	sor.u32 s6, s3;
	s0 =	sor.u32 $0x460, s0;
	v9 =	vld [tilespmem:s30+$0x12800];
	[tilespmem:s5+$0x16C20] =	vst v3;
	v2 =	vadd.f32 v5, v2  }
0x235: {  	v3 =	vld [tilespmem:s30+$0x14800]  }
0x236: {  	v5 =	vld [tilespmem:s7+$0x12800];
	[tilespmem:s5+$0x16C30] =	vst v2;
	v2 =	vadd.f32 v8, v7  }
0x237: {  	v7 =	vld [tilespmem:s7+$0x14800]  }
0x238: {  	v8 =	vld [tilespmem:s16+$0x12800];
	[tilespmem:s5+$0x16C40] =	vst v2;
	v2 =	vadd.f32 v6, v4  }
0x239: {  	v4 =	vld [tilespmem:s16+$0x14800]  }
0x23a: {  	v6 =	vld [tilespmem:s0+$0x12800];
	v3 =	vadd.f32 v3, v9;
	[tilespmem:s5+$0x16C50] =	vst v2;
	s5 =	smov.u32 s3  }
0x23b: {  	v2 =	vld [tilespmem:s0+$0x14800]  }
0x23c: {  	v9 =	vld [tilespmem:s5+$0x12800];
	v5 =	vadd.f32 v7, v5;
	[tilespmem:s30+$0x16800] =	vst v3  }
0x23d: {  	v3 =	vld [tilespmem:s5+$0x14800]  }
0x23e: {  	v7 =	vld [tilespmem:s5+$0x12810];
	[tilespmem:s7+$0x16800] =	vst v5;
	v4 =	vadd.f32 v4, v8  }
0x23f: {  	v5 =	vld [tilespmem:s5+$0x14810]  }
0x240: {  	v8 =	vld [tilespmem:s5+$0x12820];
	[tilespmem:s16+$0x16800] =	vst v4;
	v2 =	vadd.f32 v2, v6  }
0x241: {  	v4 =	vld [tilespmem:s5+$0x14820]  }
0x242: {  	v3 =	vadd.f32 v3, v9;
	v6 =	vld [tilespmem:s5+$0x12830];
	[tilespmem:s0+$0x16800] =	vst v2  }
0x243: {  	v2 =	vld [tilespmem:s5+$0x14830]  }
0x244: {  	[tilespmem:s5+$0x16800] =	vst v3;
	v3 =	vadd.f32 v5, v7;
	v5 =	vld [tilespmem:s5+$0x12840]  }
0x245: {  	v7 =	vld [tilespmem:s5+$0x14840]  }
0x246: {  	[tilespmem:s5+$0x16810] =	vst v3;
	v3 =	vadd.f32 v4, v8;
	v8 =	vld [tilespmem:s5+$0x12850]  }
0x247: {  	v9 =	vld [tilespmem:s5+$0x14850]  }
0x248: {  	[tilespmem:s5+$0x16820] =	vst v3;
	v2 =	vadd.f32 v2, v6;
	v10 =	vld [tilespmem:s5+$0x12C00]  }
0x249: {  	v11 =	vld [tilespmem:s5+$0x14C00]  }
0x24a: {  	[tilespmem:s5+$0x16830] =	vst v2;
	v2 =	vadd.f32 v7, v5;
	v4 =	vld [tilespmem:s5+$0x12C10]  }
.Ltmp3:
0x24b: {  	v7 =	vld [tilespmem:s5+$0x14C10];
	(pc) =	sbr.rel @p1 .LBB2_9-.Ltmp3, $4  }
0x24c: {  	[tilespmem:s5+$0x16840] =	vst v2;
	v2 =	vadd.f32 v9, v8;
	v3 =	vld [tilespmem:s5+$0x12C20]  }
0x24d: {  	v6 =	vld [tilespmem:s5+$0x14C20]  }
0x24e: {  	[tilespmem:s5+$0x16850] =	vst v2;
	v8 =	vadd.f32 v11, v10;
	v2 =	vld [tilespmem:s5+$0x12C30]  }
0x24f: {  	s26 =	sadd.s32 $0x800, s26;
	s28 =	sadd.s32 $0x1, s28;
	v5 =	vld [tilespmem:s5+$0x14C30]  }
0x250: {  	v9 =	vld [tilespmem:s5+$0x12C40]  }
0x251: {  	v10 =	vld [tilespmem:s5+$0x14C40]  }
0x252: {  	v11 =	vld [tilespmem:s5+$0x12C50]  }
0x253: {  	v12 =	vld [tilespmem:s5+$0x14C50]  }
0x254: {  	v4 =	vadd.f32 v7, v4  }
0x255: {  	[tilespmem:s5+$0x16C00] =	vst v8;
	v3 =	vadd.f32 v6, v3  }
0x256: {  	[tilespmem:s5+$0x16C10] =	vst v4;
	v2 =	vadd.f32 v5, v2  }
0x257: {  	[tilespmem:s5+$0x16C20] =	vst v3;
	v3 =	vadd.f32 v10, v9  }
0x258: {  	[tilespmem:s5+$0x16C30] =	vst v2;
	v2 =	vadd.f32 v12, v11  }
0x259: {  	[tilespmem:s5+$0x16C40] =	vst v3  }
0x25a: {  	[tilespmem:s5+$0x16C50] =	vst v2  }
0x25b: {  	v2 =	vld.msk @!p0 [tilespmem:s20+$0x38], $0xff;
	_ =	sdelay $0x4  }
0x25c: {  	v3 =	vshll.u32 @!p0 v2, $0x3  }
0x25d: {  	v4 =	vlaneseq.u32 @!p0;
	v2 =	vand.u32 @!p0 $0x7, v2;
	v3 =	vand.u32 @!p0 $0xFFFFFFC0, v3  }
0x25e: {  	v2 =	vor.u32 @!p0 v2, v3;
	v3 =	vand.u32 @!p0 $0x7, v4;
	v4 =	vshrl.u32 @!p0 v4, $0x3  }
0x25f: {  	v2 =	vperm.xlane @!p0 v2, v3;
	v4 =	vmul.u32 @!p0 $0x8, v4;
	_ =	sdelay $0x1  }
0x260: {  	v2 =	vadd.s32 @!p0 v4, v2;
	_ =	sdelay $0x3  }
0x261: {  	s0 =	simm.s32 @!p0 $0x0;
	s3 =	simm.s32 @!p0 $0x12800  }
0x262: {  	[tilespmem:s3], [sflag:$0x7] =	stream.indirect_vreg.gather @!p0 [hbm4b:s1+s0], $0x80, v2, vm1, $0xb8;
	[tilespmem:$0x18800] =	vst v63  }
0x263: {  	s3 =	simm.s32 @!p0 $0x13000  }
0x264: {  	[tilespmem:s3], [sflag:$0x7] =	stream.indirect_vreg.gather @!p0 [hbm4b:s10+s0], $0x80, v2, vm1, $0xb8;
	[tilespmem:$0x18800] =	vst v63  }
0x265: {  	s3 =	simm.s32 @!p0 $0x13800  }
0x266: {  	[tilespmem:s3], [sflag:$0x7] =	stream.indirect_vreg.gather @!p0 [hbm4b:s11+s0], $0x80, v2, vm1, $0xb8;
	[tilespmem:$0x18800] =	vst v63  }
0x267: {  	s3 =	simm.s32 @!p0 $0x14000  }
0x268: {  	[tilespmem:s3], [sflag:$0x7] =	stream.indirect_vreg.gather @!p0 [hbm4b:s12+s0], $0x80, v2, vm1, $0xb8;
	[tilespmem:$0x18800] =	vst v63  }
0x269: {  	v2 =	vld.msk @!p0 [tilespmem:s20+$0x438], $0xff;
	_ =	sdelay $0x4  }
0x26a: {  	v5 =	vshll.u32 @!p0 v2, $0x3  }
0x26b: {  	v2 =	vand.u32 @!p0 $0x7, v2;
	v5 =	vand.u32 @!p0 $0xFFFFFFC0, v5  }
0x26c: {  	v2 =	vor.u32 @!p0 v2, v5  }
0x26d: {  	v2 =	vperm.xlane @!p0 v2, v3;
	_ =	sdelay $0x1  }
0x26e: {  	v2 =	vadd.s32 @!p0 v4, v2;
	_ =	sdelay $0x3  }
0x26f: {  	s3 =	simm.s32 @!p0 $0x14800  }
0x270: {  	[tilespmem:s3], [sflag:$0x7] =	stream.indirect_vreg.gather @!p0 [hbm4b:s2+s0], $0x80, v2, vm1, $0xb8;
	[tilespmem:$0x18800] =	vst v63  }
0x271: {  	s3 =	simm.s32 @!p0 $0x15000  }
0x272: {  	[tilespmem:s3], [sflag:$0x7] =	stream.indirect_vreg.gather @!p0 [hbm4b:s13+s0], $0x80, v2, vm1, $0xb8;
	[tilespmem:$0x18800] =	vst v63  }
0x273: {  	s3 =	simm.s32 @!p0 $0x15800  }
0x274: {  	[tilespmem:s3], [sflag:$0x7] =	stream.indirect_vreg.gather @!p0 [hbm4b:s14+s0], $0x80, v2, vm1, $0xb8;
	[tilespmem:$0x18800] =	vst v63  }
0x275: {  	s26 =	sadd.s32 $0x18000, s9;
	s3 =	simm.s32 @!p0 $0x16000  }
0x276: {  	[tilespmem:s3], [sflag:$0x7] =	stream.indirect_vreg.gather @!p0 [hbm4b:s15+s0], $0x80, v2, vm1, $0xb8;
	[tilespmem:$0x18800] =	vst v63  }
0x277: {  	s0 =	sshrl.u32 s26, $0x3  }
0x278: {  	s28 =	simm.s32 $0x16800;
	s0 =	sadd.s32 s4, s0  }
0x279: {  	[hbm4b:s0+s19] =	stream.strided.scatter [tilespmem:s28], [sflag:$0x8], $0x400, s24, s19, $0x38;
	[tilespmem:$0x18800] =	vst v63  }
0x27a: {  	s31 =	simm.s32 $0x16C00;
	s30 =	sadd.s32 $0x40, s0  }
0x27b: {  	[hbm4b:s30+s19] =	stream.strided.scatter [tilespmem:s31], [sflag:$0x8], $0x400, s24, s19, $0x38;
	[tilespmem:$0x18800] =	vst v63  }
0x27c: {  	s7 =	simm.s32 $0x17000;
	s6 =	sadd.s32 $0x80, s0  }
0x27d: {  	[hbm4b:s6+s19] =	stream.strided.scatter [tilespmem:s7], [sflag:$0x8], $0x400, s24, s19, $0x38;
	[tilespmem:$0x18800] =	vst v63  }
0x27e: {  	s9 =	simm.s32 $0x17400;
	s8 =	sadd.s32 $0xC0, s0  }
0x27f: {  	[hbm4b:s8+s19] =	stream.strided.scatter [tilespmem:s9], [sflag:$0x8], $0x400, s24, s19, $0x38;
	[tilespmem:$0x18800] =	vst v63  }
0x280: {  	s22 =	sadd.s32 $0x1, s22;
	s20 =	simm.s32 $0x17800;
	s16 =	sadd.s32 $0x100, s0  }
0x281: {  	[hbm4b:s16+s19] =	stream.strided.scatter [tilespmem:s20], [sflag:$0x8], $0x400, s24, s19, $0x38;
	[tilespmem:$0x18800] =	vst v63  }
0x282: {  	s26 =	simm.s32 $0x17C00;
	p0 =	sne.s32 s22, $0x20;
	s21 =	sadd.s32 $0x140, s0  }
0x283: {  	[hbm4b:s21+s19] =	stream.strided.scatter [tilespmem:s26], [sflag:$0x8], $0x400, s24, s19, $0x38;
	[tilespmem:$0x18800] =	vst v63  }
.Ltmp4:
0x284: {  	_ = 	snop;
	(pc) =	sbr.rel @p0 .LBB2_2-.Ltmp4, $4  }
0x285: {  	s28 =	sadd.s32 $0x180, s0;
	s30 =	simm.s32 $0x18000  }
0x286: {  	[hbm4b:s28+s19] =	stream.strided.scatter [tilespmem:s30], [sflag:$0x8], $0x400, s24, s19, $0x38;
	[tilespmem:$0x18800] =	vst v63  }
0x287: {  	s0 =	sadd.s32 $0x1C0, s0;
	s31 =	simm.s32 $0x18400  }
0x288: {  	[hbm4b:s0+s19] =	stream.strided.scatter [tilespmem:s31], [sflag:$0x8], $0x400, s24, s19, $0x38;
	[tilespmem:$0x18800] =	vst v63  }
0x289: {  	s0 =	simm.s32 $0x2  }
0x28a: {  	_ =	swait.ge [sflag:s0], $0x2000  }
0x28b: {  	[sflag:s0] =	ssyncset.done $0x0  }
0x28c: {  	s28 =	simm.s32 $0x4;
	[sflag:s0] =	ssyncadd.s32 $0xFFFFE000  }
0x28d: {  	_ =	swait.ge [sflag:s28], $0x2000  }
0x28e: {  	[sflag:s28] =	ssyncset.done $0x0  }
0x28f: {  	s30 =	simm.s32 $0x6;
	[sflag:s28] =	ssyncadd.s32 $0xFFFFE000  }
0x290: {  	_ =	swait.ge [sflag:s30], $0x2000  }
0x291: {  	[sflag:s30] =	ssyncset.done $0x0  }
0x292: {  	s3 =	simm.s32 $0x8;
	[sflag:s30] =	ssyncadd.s32 $0xFFFFE000  }
0x293: {  	_ =	swait.ge [sflag:s3], $0x2000  }
0x294: {  	s5 =	rddreg [dreg:$0xc]  }
0x295: {  	s31 =	rddreg [dreg:$0xb];
	s5 =	sadd.s32 $0x1, s5  }
0x296: {  	p0 =	sne.s32 s5, s31  }
.Ltmp5:
0x297: {  	_ = 	snop;
	(pc) =	sbr.rel @p0 .LBB2_1-.Ltmp5, $3  }
0x298: {  	_ =	sdelay $0x1  }
0x299: {  	[sflag:s3] =	ssyncset.done $0x0  }
0x29a: {  	[sflag:s3] =	ssyncadd.s32 $0xFFFFE000  }
0x29b: {  	_ =	sfence.sel $0x180000  }
0x29c: {  	[bflag:$0x0] =	sbarrier.arrive $0xFFFF  }
0x29d: {  	_ =	strace $0x90000047  }
0x29e: {  	s0 =	stileid.u32;
	[bflag:$0x2] =	sbarrier.arrive $0xFFFF  }
0x29f: {  	p0 =	sne.s32 s0, $0x0;
	s0 =	rddreg [dreg:$0x5]  }
0x2a0: {  	s0 =	sadd.s32 @!p0 $0x100000, s0  }
0x2a1: {  	[sflag:s0] =	ssyncadd.tile.s32 @!p0 $0x1;
	_ =	shalt  }
.Lfunc_end2:
_tile_overlayer_lowered:
.L_overlay_start_2:
0x2a2: {  	(tag) =	ssettag $0x2  }
0x2a3: {  	s0 =	rddreg [dreg:$0x0];
	s2 =	stileid.u32  }
0x2a4: {  	s1 =	rddreg [dreg:$0x1];
	p0 =	sne.s32 s2, $0x0  }
0x2a5: {  	s3 =	rddreg [dreg:$0x2];
	[bflag:$0x3] =	sbarrier.arrive $0xFFFF;
	s2 =	simm.s32 @!p0 $0x1C09  }
0x2a6: {  	[timem:s3], [sflag:s2] =	dma.local @!p0 [hbm:s0], s1  }
0x2a7: {  	s0 =	simm.s32 @!p0 $0x9  }
0x2a8: {  	_ =	swait.ge @!p0 [sflag:s0], s1  }
0x2a9: {  	s1 =	ssub.s32 @!p0 $0x0, s1;
	[sflag:s0] =	ssyncset.done @!p0 $0x0  }
0x2aa: {  	[sflag:s0] =	ssyncadd.s32 @!p0 s1  }
0x2ab: {  	[bflag:$0x3] =	sbarrier.arrive $0xFFFF  }
0x2ac: {  	_ =	shalt  }

</sc_bundles>
